<compile_context>
chip_gen: v7x
topology: tpu7x:2x2x1
jax: 0.10.2.dev20260603
libtpu: 0.0.44.dev20260713+nightly
codegen_flags: <defaults>
</compile_context>

<pallas_src>
import functools

import numpy as np
import jax
import jax.numpy as jnp
from jax import lax
from jax.experimental import pallas as pl
from jax.experimental.pallas import tpu as pltpu
from jax.experimental.pallas import tpu_sc as plsc

_N = 64
_M = 128
_NT = 16384
_NC = 2
_PPW = _NT // 16
_TAU = 3.0 / (np.pi * np.sqrt(128.0))
_WCOEF = -1.0 / (16.0 * _TAU)


def _constants():
    x = np.arange(_N)
    rx = (x - _N // 2) / float(_N)
    psi_hat = np.sqrt(4.0 * np.pi * _TAU) * np.exp(-4.0 * np.pi**2 * _TAU * rx**2)
    ax = 0.5 / psi_hat
    a2d = np.outer(ax, ax).astype(np.float32)
    m = np.arange(_M)
    ang = -2.0 * np.pi * np.outer(m - _M // 2, x - _N // 2) / float(_M)
    dr = np.cos(ang)
    di = np.sin(ang)
    dts = np.concatenate([dr.T, di.T], axis=0).astype(np.float32)
    d1s = np.block([[dr, -di], [di, dr]]).astype(np.float32)
    return a2d, dts, d1s


_A2D, _DTS, _D1S = _constants()


def _tc_grid_body(ir_ref, ii_ref, a_ref, dts_ref, d1s_ref, out_ref):
    a = a_ref[...]
    for c in range(_NC):
        br = ir_ref[c] * a
        bi = ii_ref[c] * a
        bs = jnp.concatenate(
            [
                jnp.concatenate([br, -bi], axis=1),
                jnp.concatenate([bi, br], axis=1),
            ],
            axis=0,
        )
        p = jnp.dot(bs, dts_ref[...], preferred_element_type=jnp.float32,
                    precision=jax.lax.Precision.HIGHEST)
        gc = jnp.dot(d1s_ref[...], p, preferred_element_type=jnp.float32,
                     precision=jax.lax.Precision.HIGHEST)
        out_ref[c] = gc


def _make_grid(img_real, img_imag):
    return pl.pallas_call(
        _tc_grid_body,
        out_shape=jax.ShapeDtypeStruct((_NC, 2 * _M, _M), jnp.float32),
    )(img_real[0], img_imag[0], _A2D, _DTS, _D1S)


_SC_MESH = plsc.VectorSubcoreMesh(core_axis_name="c", subcore_axis_name="s")


@functools.partial(
    pl.kernel,
    mesh=_SC_MESH,
    out_type=[
        jax.ShapeDtypeStruct((_NC, _NT), jnp.float32),
        jax.ShapeDtypeStruct((_NC, _NT), jnp.float32),
    ],
    scratch_types=[
        pltpu.VMEM((_M * _M,), jnp.float32),
        pltpu.VMEM((_M * _M,), jnp.float32),
        pltpu.VMEM((_PPW,), jnp.float32),
        pltpu.VMEM((_PPW,), jnp.float32),
        pltpu.VMEM((_PPW,), jnp.float32),
        pltpu.VMEM((_PPW,), jnp.float32),
    ],
    compiler_params=pltpu.CompilerParams(needs_layout_passes=False),
)
def _sc_interp(grid_hbm, tx_hbm, ty_hbm, outr_hbm, outi_hbm,
               grr, gri, txv, tyv, orv, oiv):
    cid = lax.axis_index("c")
    sid = lax.axis_index("s")
    base = sid * _PPW
    pltpu.sync_copy(grid_hbm.at[cid, 0], grr)
    pltpu.sync_copy(grid_hbm.at[cid, 1], gri)
    pltpu.sync_copy(tx_hbm.at[pl.ds(base, _PPW)], txv)
    pltpu.sync_copy(ty_hbm.at[pl.ds(base, _PPW)], tyv)

    def body(gidx, carry):
        o = gidx * 16
        gx = txv[pl.ds(o, 16)] * float(_M)
        gy = tyv[pl.ds(o, 16)] * float(_M)
        ix = gx.astype(jnp.int32)
        iy = gy.astype(jnp.int32)
        fx = gx - ix.astype(jnp.float32)
        fy = gy - iy.astype(jnp.float32)
        wx = [jnp.exp(((fx - j) * (fx - j)) * _WCOEF) for j in range(-2, 4)]
        wy = [jnp.exp(((fy - l) * (fy - l)) * _WCOEF) for l in range(-2, 4)]
        rows = [((ix + j) & (_M - 1)) * _M for j in range(-2, 4)]
        cols = [(iy + l) & (_M - 1) for l in range(-2, 4)]
        rparts = []
        iparts = []
        for j in range(6):
            idx0 = rows[j] + cols[0]
            ar = wy[0] * plsc.load_gather(grr, [idx0])
            ai = wy[0] * plsc.load_gather(gri, [idx0])
            for l in range(1, 6):
                idx = rows[j] + cols[l]
                ar = ar + wy[l] * plsc.load_gather(grr, [idx])
                ai = ai + wy[l] * plsc.load_gather(gri, [idx])
            rparts.append(wx[j] * ar)
            iparts.append(wx[j] * ai)
        accr = ((rparts[0] + rparts[1]) + (rparts[2] + rparts[3])) + (
            rparts[4] + rparts[5])
        acci = ((iparts[0] + iparts[1]) + (iparts[2] + iparts[3])) + (
            iparts[4] + iparts[5])
        orv[pl.ds(o, 16)] = accr
        oiv[pl.ds(o, 16)] = acci
        return carry

    lax.fori_loop(0, _PPW // 16, body, 0)
    pltpu.sync_copy(orv, outr_hbm.at[cid, pl.ds(base, _PPW)])
    pltpu.sync_copy(oiv, outi_hbm.at[cid, pl.ds(base, _PPW)])


@jax.jit
def _nufft(img_real, img_imag, trj):
    grid = _make_grid(img_real, img_imag)
    grid_planes = grid.reshape(_NC, 2, _M * _M)
    tx = trj[0, :, 0]
    ty = trj[0, :, 1]
    out_r, out_i = _sc_interp(grid_planes, tx, ty)
    return (out_r + 1j * out_i).astype(jnp.complex64)[None]


def kernel(img_real, img_imag, trj):
    return _nufft(img_real, img_imag, trj)

# --- scband reference (transcript-rebuilt; emitter-appended) ---
"""Pipeline reference for scband-triton-nufft-48704929136774 (READ-ONLY COPY).

The authoritative reference and input builder live on the scoring server;
editing this copy changes nothing except your own understanding.
"""

import jax, jax.numpy as jnp
import numpy as np

IM_SIZE = (64, 64)
N_BATCH = 1
N_COIL = 2
N_TRJ = 16384


def setup_inputs(seed: int = 0) -> dict:
    key = jax.random.key(seed)
    k1, k2, k3 = jax.random.split(key, 3)
    img_real = jax.random.normal(k1, (N_BATCH, N_COIL, IM_SIZE[0], IM_SIZE[1]), dtype=jnp.float32)
    img_imag = jax.random.normal(k2, (N_BATCH, N_COIL, IM_SIZE[0], IM_SIZE[1]), dtype=jnp.float32)
    trj = jax.random.uniform(k3, (N_BATCH, N_TRJ, 2), dtype=jnp.float32)
    return {"img_real": img_real, "img_imag": img_imag, "trj": trj}


def reference(img_real, img_imag, trj):
    # Forward NUFFT per the module docstring: ksp(k) = sum_r img(r) * e^{-j 2 pi k . r}
    # with k_i in [-N_i/2, N_i/2] and r_i in [-1/2, 1/2].
    im_size = IM_SIZE
    img = img_real.astype(jnp.complex64) + 1j * img_imag.astype(jnp.complex64)  # (N, C, X, Y)
    # rescale trj from uniform [0,1) to k coordinates in [-N_i/2, N_i/2)
    k = (trj - 0.5) * jnp.asarray(im_size, dtype=trj.dtype)  # (N, T, 2)
    # image-domain grid coordinates r_i in [-1/2, 1/2)
    rx = (jnp.arange(im_size[0], dtype=jnp.float32) - im_size[0] // 2) / im_size[0]
    ry = (jnp.arange(im_size[1], dtype=jnp.float32) - im_size[1] // 2) / im_size[1]
    # separable complex exponentials: e^{-j2pi(k0*rx + k1*ry)} = E0 * E1
    E0 = jnp.exp(-2j * jnp.pi * k[..., 0][..., None] * rx[None, None, :])  # (N, T, X) complex64
    E1 = jnp.exp(-2j * jnp.pi * k[..., 1][..., None] * ry[None, None, :])  # (N, T, Y) complex64
    # ksp[n,c,t] = sum_{x,y} img[n,c,x,y] * E0[n,t,x] * E1[n,t,y]
    tmp = jnp.einsum('ncxy,nty->nctx', img, E1)
    ksp = jnp.einsum('nctx,ntx->nct', tmp, E0)
    return ksp

if __name__ == "__main__":
    import jax
    _d = setup_inputs()
    print(jax.jit(kernel)(*tuple(_d.values())))

</pallas_src>

<mosaic_0001>
#map = affine_map<(d0, d1) -> (0, 0, 0)>
#map1 = affine_map<(d0, d1) -> (0)>
#map2 = affine_map<(d0, d1) -> (0, 0)>
module attributes {stable_mosaic.version = 14 : i64} {
  func.func @_sc_interp(%arg0: i32, %arg1: i32, %arg2: memref<2x2x16384xf32, #tpu.memory_space<hbm>>, %arg3: memref<16384xf32, #tpu.memory_space<hbm>>, %arg4: memref<16384xf32, #tpu.memory_space<hbm>>, %arg5: memref<2x16384xf32, #tpu.memory_space<hbm>>, %arg6: memref<2x16384xf32, #tpu.memory_space<hbm>>, %arg7: memref<16384xf32, #tpu.memory_space<vmem>>, %arg8: memref<16384xf32, #tpu.memory_space<vmem>>, %arg9: memref<1024xf32, #tpu.memory_space<vmem>>, %arg10: memref<1024xf32, #tpu.memory_space<vmem>>, %arg11: memref<1024xf32, #tpu.memory_space<vmem>>, %arg12: memref<1024xf32, #tpu.memory_space<vmem>>) attributes {dimension_semantics = [#tpu.dimension_semantics<core_parallel>, #tpu.dimension_semantics<subcore_parallel>], iteration_bounds = array<i64: 2, 16>, scalar_prefetch = 0 : i64, scratch_operands = 6 : i64, tpu.core_type = #tpu.core_type<sc_vector_subcore>, window_params = [{transform_indices = #map}, {transform_indices = #map1}, {transform_indices = #map1}, {transform_indices = #map2}, {transform_indices = #map2}]} {
    %mul3A = arith.constant 1024 : i32
    %mul3A_0 = arith.muli %arg1, %mul3A : i32
    %run_scoped3A = arith.constant 0 : i32
    "tpu.region"() ({
      %run_scoped3A_7 = tpu.sem_alloc : memref<!tpu.dma_semaphore, #tpu.memory_space<semaphore_mem>>
      %dma_start3A = arith.constant 0 : i32
      %dma_start3A_8 = tpu.memref_slice %arg2[%arg0, %run_scoped3A, %dma_start3A] : memref<2x2x16384xf32, #tpu.memory_space<hbm>> -> memref<1x1x16384xf32, #tpu.memory_space<hbm>>
      %dma_start3A_9 = tpu.memref_squeeze %dma_start3A_8 : memref<1x1x16384xf32, #tpu.memory_space<hbm>> -> memref<16384xf32, #tpu.memory_space<hbm>>
      %dma_start3A_10 = arith.constant 0 : i32
      %dma_start3A_11 = tpu.memref_slice %arg2[%arg0, %run_scoped3A, %dma_start3A_10] : memref<2x2x16384xf32, #tpu.memory_space<hbm>> -> memref<1x1x16384xf32, #tpu.memory_space<hbm>>
      %dma_start3A_12 = tpu.memref_squeeze %dma_start3A_11 : memref<1x1x16384xf32, #tpu.memory_space<hbm>> -> memref<16384xf32, #tpu.memory_space<hbm>>
      tpu.enqueue_dma source(%dma_start3A_12 : memref<16384xf32, #tpu.memory_space<hbm>>) target(%arg7 : memref<16384xf32, #tpu.memory_space<vmem>>) target_semaphore(%run_scoped3A_7 : memref<!tpu.dma_semaphore, #tpu.memory_space<semaphore_mem>>)
      %dma_wait3A = arith.constant 0 : i32
      %dma_wait3A_13 = tpu.memref_slice %arg2[%arg0, %run_scoped3A, %dma_wait3A] : memref<2x2x16384xf32, #tpu.memory_space<hbm>> -> memref<1x1x16384xf32, #tpu.memory_space<hbm>>
      %dma_wait3A_14 = tpu.memref_squeeze %dma_wait3A_13 : memref<1x1x16384xf32, #tpu.memory_space<hbm>> -> memref<16384xf32, #tpu.memory_space<hbm>>
      %dma_wait3A_15 = arith.constant 0 : i32
      %dma_wait3A_16 = tpu.memref_slice %arg2[%arg0, %run_scoped3A, %dma_wait3A_15] : memref<2x2x16384xf32, #tpu.memory_space<hbm>> -> memref<1x1x16384xf32, #tpu.memory_space<hbm>>
      %dma_wait3A_17 = tpu.memref_squeeze %dma_wait3A_16 : memref<1x1x16384xf32, #tpu.memory_space<hbm>> -> memref<16384xf32, #tpu.memory_space<hbm>>
      tpu.wait_dma2 semaphore(%run_scoped3A_7 : memref<!tpu.dma_semaphore, #tpu.memory_space<semaphore_mem>>) src(%dma_wait3A_17 : memref<16384xf32, #tpu.memory_space<hbm>>) dst(%arg7 : memref<16384xf32, #tpu.memory_space<vmem>>)
      tpu.yield
    }) : () -> ()
    %run_scoped3A_1 = arith.constant 1 : i32
    "tpu.region"() ({
      %run_scoped3A_7 = tpu.sem_alloc : memref<!tpu.dma_semaphore, #tpu.memory_space<semaphore_mem>>
      %dma_start3A = arith.constant 0 : i32
      %dma_start3A_8 = tpu.memref_slice %arg2[%arg0, %run_scoped3A_1, %dma_start3A] : memref<2x2x16384xf32, #tpu.memory_space<hbm>> -> memref<1x1x16384xf32, #tpu.memory_space<hbm>>
      %dma_start3A_9 = tpu.memref_squeeze %dma_start3A_8 : memref<1x1x16384xf32, #tpu.memory_space<hbm>> -> memref<16384xf32, #tpu.memory_space<hbm>>
      %dma_start3A_10 = arith.constant 0 : i32
      %dma_start3A_11 = tpu.memref_slice %arg2[%arg0, %run_scoped3A_1, %dma_start3A_10] : memref<2x2x16384xf32, #tpu.memory_space<hbm>> -> memref<1x1x16384xf32, #tpu.memory_space<hbm>>
      %dma_start3A_12 = tpu.memref_squeeze %dma_start3A_11 : memref<1x1x16384xf32, #tpu.memory_space<hbm>> -> memref<16384xf32, #tpu.memory_space<hbm>>
      tpu.enqueue_dma source(%dma_start3A_12 : memref<16384xf32, #tpu.memory_space<hbm>>) target(%arg8 : memref<16384xf32, #tpu.memory_space<vmem>>) target_semaphore(%run_scoped3A_7 : memref<!tpu.dma_semaphore, #tpu.memory_space<semaphore_mem>>)
      %dma_wait3A = arith.constant 0 : i32
      %dma_wait3A_13 = tpu.memref_slice %arg2[%arg0, %run_scoped3A_1, %dma_wait3A] : memref<2x2x16384xf32, #tpu.memory_space<hbm>> -> memref<1x1x16384xf32, #tpu.memory_space<hbm>>
      %dma_wait3A_14 = tpu.memref_squeeze %dma_wait3A_13 : memref<1x1x16384xf32, #tpu.memory_space<hbm>> -> memref<16384xf32, #tpu.memory_space<hbm>>
      %dma_wait3A_15 = arith.constant 0 : i32
      %dma_wait3A_16 = tpu.memref_slice %arg2[%arg0, %run_scoped3A_1, %dma_wait3A_15] : memref<2x2x16384xf32, #tpu.memory_space<hbm>> -> memref<1x1x16384xf32, #tpu.memory_space<hbm>>
      %dma_wait3A_17 = tpu.memref_squeeze %dma_wait3A_16 : memref<1x1x16384xf32, #tpu.memory_space<hbm>> -> memref<16384xf32, #tpu.memory_space<hbm>>
      tpu.wait_dma2 semaphore(%run_scoped3A_7 : memref<!tpu.dma_semaphore, #tpu.memory_space<semaphore_mem>>) src(%dma_wait3A_17 : memref<16384xf32, #tpu.memory_space<hbm>>) dst(%arg8 : memref<16384xf32, #tpu.memory_space<vmem>>)
      tpu.yield
    }) : () -> ()
    "tpu.region"() ({
      %run_scoped3A_7 = tpu.sem_alloc : memref<!tpu.dma_semaphore, #tpu.memory_space<semaphore_mem>>
      %dma_start3A = tpu.memref_slice %arg3[%mul3A_0] : memref<16384xf32, #tpu.memory_space<hbm>> -> memref<1024xf32, #tpu.memory_space<hbm>>
      %dma_start3A_8 = tpu.memref_slice %arg3[%mul3A_0] : memref<16384xf32, #tpu.memory_space<hbm>> -> memref<1024xf32, #tpu.memory_space<hbm>>
      tpu.enqueue_dma source(%dma_start3A_8 : memref<1024xf32, #tpu.memory_space<hbm>>) target(%arg9 : memref<1024xf32, #tpu.memory_space<vmem>>) target_semaphore(%run_scoped3A_7 : memref<!tpu.dma_semaphore, #tpu.memory_space<semaphore_mem>>)
      %dma_wait3A = tpu.memref_slice %arg3[%mul3A_0] : memref<16384xf32, #tpu.memory_space<hbm>> -> memref<1024xf32, #tpu.memory_space<hbm>>
      %dma_wait3A_9 = tpu.memref_slice %arg3[%mul3A_0] : memref<16384xf32, #tpu.memory_space<hbm>> -> memref<1024xf32, #tpu.memory_space<hbm>>
      tpu.wait_dma2 semaphore(%run_scoped3A_7 : memref<!tpu.dma_semaphore, #tpu.memory_space<semaphore_mem>>) src(%dma_wait3A_9 : memref<1024xf32, #tpu.memory_space<hbm>>) dst(%arg9 : memref<1024xf32, #tpu.memory_space<vmem>>)
      tpu.yield
    }) : () -> ()
    "tpu.region"() ({
      %run_scoped3A_7 = tpu.sem_alloc : memref<!tpu.dma_semaphore, #tpu.memory_space<semaphore_mem>>
      %dma_start3A = tpu.memref_slice %arg4[%mul3A_0] : memref<16384xf32, #tpu.memory_space<hbm>> -> memref<1024xf32, #tpu.memory_space<hbm>>
      %dma_start3A_8 = tpu.memref_slice %arg4[%mul3A_0] : memref<16384xf32, #tpu.memory_space<hbm>> -> memref<1024xf32, #tpu.memory_space<hbm>>
      tpu.enqueue_dma source(%dma_start3A_8 : memref<1024xf32, #tpu.memory_space<hbm>>) target(%arg10 : memref<1024xf32, #tpu.memory_space<vmem>>) target_semaphore(%run_scoped3A_7 : memref<!tpu.dma_semaphore, #tpu.memory_space<semaphore_mem>>)
      %dma_wait3A = tpu.memref_slice %arg4[%mul3A_0] : memref<16384xf32, #tpu.memory_space<hbm>> -> memref<1024xf32, #tpu.memory_space<hbm>>
      %dma_wait3A_9 = tpu.memref_slice %arg4[%mul3A_0] : memref<16384xf32, #tpu.memory_space<hbm>> -> memref<1024xf32, #tpu.memory_space<hbm>>
      tpu.wait_dma2 semaphore(%run_scoped3A_7 : memref<!tpu.dma_semaphore, #tpu.memory_space<semaphore_mem>>) src(%dma_wait3A_9 : memref<1024xf32, #tpu.memory_space<hbm>>) dst(%arg10 : memref<1024xf32, #tpu.memory_space<vmem>>)
      tpu.yield
    }) : () -> ()
    %scan3A = arith.constant 0 : i32
    %scan3A_2 = arith.constant 0 : i32
    %scan3A_3 = arith.constant 64 : i32
    %scan3A_4 = arith.addi %scan3A_2, %scan3A_3 : i32
    %scan3A_5 = arith.constant 1 : i32
    scf.for %scan3A_7 = %scan3A_2 to %scan3A_4 step %scan3A_5  : i32 {
      %mul3A_8 = arith.constant 16 : i32
      %mul3A_9 = arith.muli %scan3A_7, %mul3A_8 : i32
      %get3A = arith.index_cast %mul3A_9 : i32 to index
      %get3A_10 = tpu.vector_load %arg9[%get3A] {strides = array<i32>} : memref<1024xf32, #tpu.memory_space<vmem>>, vector<16xf32>,
      %mul3A_11 = arith.constant 1.280000e+02 : f32
      %mul3A_12 = vector.broadcast %mul3A_11 : f32 to vector<16xf32>
      %mul3A_13 = arith.mulf %get3A_10, %mul3A_12 : vector<16xf32>
      %get3A_14 = arith.index_cast %mul3A_9 : i32 to index
      %get3A_15 = tpu.vector_load %arg10[%get3A_14] {strides = array<i32>} : memref<1024xf32, #tpu.memory_space<vmem>>, vector<16xf32>,
      %mul3A_16 = arith.constant 1.280000e+02 : f32
      %mul3A_17 = vector.broadcast %mul3A_16 : f32 to vector<16xf32>
      %mul3A_18 = arith.mulf %get3A_15, %mul3A_17 : vector<16xf32>
      %convert_element_type3A = arith.fptosi %mul3A_13 : vector<16xf32> to vector<16xi32>
      %convert_element_type3A_19 = arith.fptosi %mul3A_18 : vector<16xf32> to vector<16xi32>
      %convert_element_type3A_20 = arith.sitofp %convert_element_type3A : vector<16xi32> to vector<16xf32>
      %sub3A = arith.subf %mul3A_13, %convert_element_type3A_20 : vector<16xf32>
      %convert_element_type3A_21 = arith.sitofp %convert_element_type3A_19 : vector<16xi32> to vector<16xf32>
      %sub3A_22 = arith.subf %mul3A_18, %convert_element_type3A_21 : vector<16xf32>
      %sub3A_23 = arith.constant -2.000000e+00 : f32
      %sub3A_24 = vector.broadcast %sub3A_23 : f32 to vector<16xf32>
      %sub3A_25 = arith.subf %sub3A, %sub3A_24 : vector<16xf32>
      %sub3A_26 = arith.constant -2.000000e+00 : f32
      %sub3A_27 = vector.broadcast %sub3A_26 : f32 to vector<16xf32>
      %sub3A_28 = arith.subf %sub3A, %sub3A_27 : vector<16xf32>
      %mul3A_29 = arith.mulf %sub3A_25, %sub3A_28 : vector<16xf32>
      %mul3A_30 = arith.constant -0.740480482 : f32
      %mul3A_31 = vector.broadcast %mul3A_30 : f32 to vector<16xf32>
      %mul3A_32 = arith.mulf %mul3A_29, %mul3A_31 : vector<16xf32>
      %exp3A = math.exp %mul3A_32 : vector<16xf32>
      %sub3A_33 = arith.constant -1.000000e+00 : f32
      %sub3A_34 = vector.broadcast %sub3A_33 : f32 to vector<16xf32>
      %sub3A_35 = arith.subf %sub3A, %sub3A_34 : vector<16xf32>
      %sub3A_36 = arith.constant -1.000000e+00 : f32
      %sub3A_37 = vector.broadcast %sub3A_36 : f32 to vector<16xf32>
      %sub3A_38 = arith.subf %sub3A, %sub3A_37 : vector<16xf32>
      %mul3A_39 = arith.mulf %sub3A_35, %sub3A_38 : vector<16xf32>
      %mul3A_40 = arith.constant -0.740480482 : f32
      %mul3A_41 = vector.broadcast %mul3A_40 : f32 to vector<16xf32>
      %mul3A_42 = arith.mulf %mul3A_39, %mul3A_41 : vector<16xf32>
      %exp3A_43 = math.exp %mul3A_42 : vector<16xf32>
      %sub3A_44 = arith.constant 0.000000e+00 : f32
      %sub3A_45 = vector.broadcast %sub3A_44 : f32 to vector<16xf32>
      %sub3A_46 = arith.subf %sub3A, %sub3A_45 : vector<16xf32>
      %sub3A_47 = arith.constant 0.000000e+00 : f32
      %sub3A_48 = vector.broadcast %sub3A_47 : f32 to vector<16xf32>
      %sub3A_49 = arith.subf %sub3A, %sub3A_48 : vector<16xf32>
      %mul3A_50 = arith.mulf %sub3A_46, %sub3A_49 : vector<16xf32>
      %mul3A_51 = arith.constant -0.740480482 : f32
      %mul3A_52 = vector.broadcast %mul3A_51 : f32 to vector<16xf32>
      %mul3A_53 = arith.mulf %mul3A_50, %mul3A_52 : vector<16xf32>
      %exp3A_54 = math.exp %mul3A_53 : vector<16xf32>
      %sub3A_55 = arith.constant 1.000000e+00 : f32
      %sub3A_56 = vector.broadcast %sub3A_55 : f32 to vector<16xf32>
      %sub3A_57 = arith.subf %sub3A, %sub3A_56 : vector<16xf32>
      %sub3A_58 = arith.constant 1.000000e+00 : f32
      %sub3A_59 = vector.broadcast %sub3A_58 : f32 to vector<16xf32>
      %sub3A_60 = arith.subf %sub3A, %sub3A_59 : vector<16xf32>
      %mul3A_61 = arith.mulf %sub3A_57, %sub3A_60 : vector<16xf32>
      %mul3A_62 = arith.constant -0.740480482 : f32
      %mul3A_63 = vector.broadcast %mul3A_62 : f32 to vector<16xf32>
      %mul3A_64 = arith.mulf %mul3A_61, %mul3A_63 : vector<16xf32>
      %exp3A_65 = math.exp %mul3A_64 : vector<16xf32>
      %sub3A_66 = arith.constant 2.000000e+00 : f32
      %sub3A_67 = vector.broadcast %sub3A_66 : f32 to vector<16xf32>
      %sub3A_68 = arith.subf %sub3A, %sub3A_67 : vector<16xf32>
      %sub3A_69 = arith.constant 2.000000e+00 : f32
      %sub3A_70 = vector.broadcast %sub3A_69 : f32 to vector<16xf32>
      %sub3A_71 = arith.subf %sub3A, %sub3A_70 : vector<16xf32>
      %mul3A_72 = arith.mulf %sub3A_68, %sub3A_71 : vector<16xf32>
      %mul3A_73 = arith.constant -0.740480482 : f32
      %mul3A_74 = vector.broadcast %mul3A_73 : f32 to vector<16xf32>
      %mul3A_75 = arith.mulf %mul3A_72, %mul3A_74 : vector<16xf32>
      %exp3A_76 = math.exp %mul3A_75 : vector<16xf32>
      %sub3A_77 = arith.constant 3.000000e+00 : f32
      %sub3A_78 = vector.broadcast %sub3A_77 : f32 to vector<16xf32>
      %sub3A_79 = arith.subf %sub3A, %sub3A_78 : vector<16xf32>
      %sub3A_80 = arith.constant 3.000000e+00 : f32
      %sub3A_81 = vector.broadcast %sub3A_80 : f32 to vector<16xf32>
      %sub3A_82 = arith.subf %sub3A, %sub3A_81 : vector<16xf32>
      %mul3A_83 = arith.mulf %sub3A_79, %sub3A_82 : vector<16xf32>
      %mul3A_84 = arith.constant -0.740480482 : f32
      %mul3A_85 = vector.broadcast %mul3A_84 : f32 to vector<16xf32>
      %mul3A_86 = arith.mulf %mul3A_83, %mul3A_85 : vector<16xf32>
      %exp3A_87 = math.exp %mul3A_86 : vector<16xf32>
      %sub3A_88 = arith.constant -2.000000e+00 : f32
      %sub3A_89 = vector.broadcast %sub3A_88 : f32 to vector<16xf32>
      %sub3A_90 = arith.subf %sub3A_22, %sub3A_89 : vector<16xf32>
      %sub3A_91 = arith.constant -2.000000e+00 : f32
      %sub3A_92 = vector.broadcast %sub3A_91 : f32 to vector<16xf32>
      %sub3A_93 = arith.subf %sub3A_22, %sub3A_92 : vector<16xf32>
      %mul3A_94 = arith.mulf %sub3A_90, %sub3A_93 : vector<16xf32>
      %mul3A_95 = arith.constant -0.740480482 : f32
      %mul3A_96 = vector.broadcast %mul3A_95 : f32 to vector<16xf32>
      %mul3A_97 = arith.mulf %mul3A_94, %mul3A_96 : vector<16xf32>
      %exp3A_98 = math.exp %mul3A_97 : vector<16xf32>
      %sub3A_99 = arith.constant -1.000000e+00 : f32
      %sub3A_100 = vector.broadcast %sub3A_99 : f32 to vector<16xf32>
      %sub3A_101 = arith.subf %sub3A_22, %sub3A_100 : vector<16xf32>
      %sub3A_102 = arith.constant -1.000000e+00 : f32
      %sub3A_103 = vector.broadcast %sub3A_102 : f32 to vector<16xf32>
      %sub3A_104 = arith.subf %sub3A_22, %sub3A_103 : vector<16xf32>
      %mul3A_105 = arith.mulf %sub3A_101, %sub3A_104 : vector<16xf32>
      %mul3A_106 = arith.constant -0.740480482 : f32
      %mul3A_107 = vector.broadcast %mul3A_106 : f32 to vector<16xf32>
      %mul3A_108 = arith.mulf %mul3A_105, %mul3A_107 : vector<16xf32>
      %exp3A_109 = math.exp %mul3A_108 : vector<16xf32>
      %sub3A_110 = arith.constant 0.000000e+00 : f32
      %sub3A_111 = vector.broadcast %sub3A_110 : f32 to vector<16xf32>
      %sub3A_112 = arith.subf %sub3A_22, %sub3A_111 : vector<16xf32>
      %sub3A_113 = arith.constant 0.000000e+00 : f32
      %sub3A_114 = vector.broadcast %sub3A_113 : f32 to vector<16xf32>
      %sub3A_115 = arith.subf %sub3A_22, %sub3A_114 : vector<16xf32>
      %mul3A_116 = arith.mulf %sub3A_112, %sub3A_115 : vector<16xf32>
      %mul3A_117 = arith.constant -0.740480482 : f32
      %mul3A_118 = vector.broadcast %mul3A_117 : f32 to vector<16xf32>
      %mul3A_119 = arith.mulf %mul3A_116, %mul3A_118 : vector<16xf32>
      %exp3A_120 = math.exp %mul3A_119 : vector<16xf32>
      %sub3A_121 = arith.constant 1.000000e+00 : f32
      %sub3A_122 = vector.broadcast %sub3A_121 : f32 to vector<16xf32>
      %sub3A_123 = arith.subf %sub3A_22, %sub3A_122 : vector<16xf32>
      %sub3A_124 = arith.constant 1.000000e+00 : f32
      %sub3A_125 = vector.broadcast %sub3A_124 : f32 to vector<16xf32>
      %sub3A_126 = arith.subf %sub3A_22, %sub3A_125 : vector<16xf32>
      %mul3A_127 = arith.mulf %sub3A_123, %sub3A_126 : vector<16xf32>
      %mul3A_128 = arith.constant -0.740480482 : f32
      %mul3A_129 = vector.broadcast %mul3A_128 : f32 to vector<16xf32>
      %mul3A_130 = arith.mulf %mul3A_127, %mul3A_129 : vector<16xf32>
      %exp3A_131 = math.exp %mul3A_130 : vector<16xf32>
      %sub3A_132 = arith.constant 2.000000e+00 : f32
      %sub3A_133 = vector.broadcast %sub3A_132 : f32 to vector<16xf32>
      %sub3A_134 = arith.subf %sub3A_22, %sub3A_133 : vector<16xf32>
      %sub3A_135 = arith.constant 2.000000e+00 : f32
      %sub3A_136 = vector.broadcast %sub3A_135 : f32 to vector<16xf32>
      %sub3A_137 = arith.subf %sub3A_22, %sub3A_136 : vector<16xf32>
      %mul3A_138 = arith.mulf %sub3A_134, %sub3A_137 : vector<16xf32>
      %mul3A_139 = arith.constant -0.740480482 : f32
      %mul3A_140 = vector.broadcast %mul3A_139 : f32 to vector<16xf32>
      %mul3A_141 = arith.mulf %mul3A_138, %mul3A_140 : vector<16xf32>
      %exp3A_142 = math.exp %mul3A_141 : vector<16xf32>
      %sub3A_143 = arith.constant 3.000000e+00 : f32
      %sub3A_144 = vector.broadcast %sub3A_143 : f32 to vector<16xf32>
      %sub3A_145 = arith.subf %sub3A_22, %sub3A_144 : vector<16xf32>
      %sub3A_146 = arith.constant 3.000000e+00 : f32
      %sub3A_147 = vector.broadcast %sub3A_146 : f32 to vector<16xf32>
      %sub3A_148 = arith.subf %sub3A_22, %sub3A_147 : vector<16xf32>
      %mul3A_149 = arith.mulf %sub3A_145, %sub3A_148 : vector<16xf32>
      %mul3A_150 = arith.constant -0.740480482 : f32
      %mul3A_151 = vector.broadcast %mul3A_150 : f32 to vector<16xf32>
      %mul3A_152 = arith.mulf %mul3A_149, %mul3A_151 : vector<16xf32>
      %exp3A_153 = math.exp %mul3A_152 : vector<16xf32>
      %add3A = arith.constant -2 : i32
      %add3A_154 = vector.broadcast %add3A : i32 to vector<16xi32>
      %add3A_155 = arith.addi %convert_element_type3A, %add3A_154 : vector<16xi32>
      %and3A = arith.constant 127 : i32
      %and3A_156 = vector.broadcast %and3A : i32 to vector<16xi32>
      %and3A_157 = arith.andi %add3A_155, %and3A_156 : vector<16xi32>
      %mul3A_158 = arith.constant 128 : i32
      %mul3A_159 = vector.broadcast %mul3A_158 : i32 to vector<16xi32>
      %mul3A_160 = arith.muli %and3A_157, %mul3A_159 : vector<16xi32>
      %add3A_161 = arith.constant -1 : i32
      %add3A_162 = vector.broadcast %add3A_161 : i32 to vector<16xi32>
      %add3A_163 = arith.addi %convert_element_type3A, %add3A_162 : vector<16xi32>
      %and3A_164 = arith.constant 127 : i32
      %and3A_165 = vector.broadcast %and3A_164 : i32 to vector<16xi32>
      %and3A_166 = arith.andi %add3A_163, %and3A_165 : vector<16xi32>
      %mul3A_167 = arith.constant 128 : i32
      %mul3A_168 = vector.broadcast %mul3A_167 : i32 to vector<16xi32>
      %mul3A_169 = arith.muli %and3A_166, %mul3A_168 : vector<16xi32>
      %add3A_170 = arith.constant 0 : i32
      %add3A_171 = vector.broadcast %add3A_170 : i32 to vector<16xi32>
      %add3A_172 = arith.addi %convert_element_type3A, %add3A_171 : vector<16xi32>
      %and3A_173 = arith.constant 127 : i32
      %and3A_174 = vector.broadcast %and3A_173 : i32 to vector<16xi32>
      %and3A_175 = arith.andi %add3A_172, %and3A_174 : vector<16xi32>
      %mul3A_176 = arith.constant 128 : i32
      %mul3A_177 = vector.broadcast %mul3A_176 : i32 to vector<16xi32>
      %mul3A_178 = arith.muli %and3A_175, %mul3A_177 : vector<16xi32>
      %add3A_179 = arith.constant 1 : i32
      %add3A_180 = vector.broadcast %add3A_179 : i32 to vector<16xi32>
      %add3A_181 = arith.addi %convert_element_type3A, %add3A_180 : vector<16xi32>
      %and3A_182 = arith.constant 127 : i32
      %and3A_183 = vector.broadcast %and3A_182 : i32 to vector<16xi32>
      %and3A_184 = arith.andi %add3A_181, %and3A_183 : vector<16xi32>
      %mul3A_185 = arith.constant 128 : i32
      %mul3A_186 = vector.broadcast %mul3A_185 : i32 to vector<16xi32>
      %mul3A_187 = arith.muli %and3A_184, %mul3A_186 : vector<16xi32>
      %add3A_188 = arith.constant 2 : i32
      %add3A_189 = vector.broadcast %add3A_188 : i32 to vector<16xi32>
      %add3A_190 = arith.addi %convert_element_type3A, %add3A_189 : vector<16xi32>
      %and3A_191 = arith.constant 127 : i32
      %and3A_192 = vector.broadcast %and3A_191 : i32 to vector<16xi32>
      %and3A_193 = arith.andi %add3A_190, %and3A_192 : vector<16xi32>
      %mul3A_194 = arith.constant 128 : i32
      %mul3A_195 = vector.broadcast %mul3A_194 : i32 to vector<16xi32>
      %mul3A_196 = arith.muli %and3A_193, %mul3A_195 : vector<16xi32>
      %add3A_197 = arith.constant 3 : i32
      %add3A_198 = vector.broadcast %add3A_197 : i32 to vector<16xi32>
      %add3A_199 = arith.addi %convert_element_type3A, %add3A_198 : vector<16xi32>
      %and3A_200 = arith.constant 127 : i32
      %and3A_201 = vector.broadcast %and3A_200 : i32 to vector<16xi32>
      %and3A_202 = arith.andi %add3A_199, %and3A_201 : vector<16xi32>
      %mul3A_203 = arith.constant 128 : i32
      %mul3A_204 = vector.broadcast %mul3A_203 : i32 to vector<16xi32>
      %mul3A_205 = arith.muli %and3A_202, %mul3A_204 : vector<16xi32>
      %add3A_206 = arith.constant -2 : i32
      %add3A_207 = vector.broadcast %add3A_206 : i32 to vector<16xi32>
      %add3A_208 = arith.addi %convert_element_type3A_19, %add3A_207 : vector<16xi32>
      %and3A_209 = arith.constant 127 : i32
      %and3A_210 = vector.broadcast %and3A_209 : i32 to vector<16xi32>
      %and3A_211 = arith.andi %add3A_208, %and3A_210 : vector<16xi32>
      %add3A_212 = arith.constant -1 : i32
      %add3A_213 = vector.broadcast %add3A_212 : i32 to vector<16xi32>
      %add3A_214 = arith.addi %convert_element_type3A_19, %add3A_213 : vector<16xi32>
      %and3A_215 = arith.constant 127 : i32
      %and3A_216 = vector.broadcast %and3A_215 : i32 to vector<16xi32>
      %and3A_217 = arith.andi %add3A_214, %and3A_216 : vector<16xi32>
      %add3A_218 = arith.constant 0 : i32
      %add3A_219 = vector.broadcast %add3A_218 : i32 to vector<16xi32>
      %add3A_220 = arith.addi %convert_element_type3A_19, %add3A_219 : vector<16xi32>
      %and3A_221 = arith.constant 127 : i32
      %and3A_222 = vector.broadcast %and3A_221 : i32 to vector<16xi32>
      %and3A_223 = arith.andi %add3A_220, %and3A_222 : vector<16xi32>
      %add3A_224 = arith.constant 1 : i32
      %add3A_225 = vector.broadcast %add3A_224 : i32 to vector<16xi32>
      %add3A_226 = arith.addi %convert_element_type3A_19, %add3A_225 : vector<16xi32>
      %and3A_227 = arith.constant 127 : i32
      %and3A_228 = vector.broadcast %and3A_227 : i32 to vector<16xi32>
      %and3A_229 = arith.andi %add3A_226, %and3A_228 : vector<16xi32>
      %add3A_230 = arith.constant 2 : i32
      %add3A_231 = vector.broadcast %add3A_230 : i32 to vector<16xi32>
      %add3A_232 = arith.addi %convert_element_type3A_19, %add3A_231 : vector<16xi32>
      %and3A_233 = arith.constant 127 : i32
      %and3A_234 = vector.broadcast %and3A_233 : i32 to vector<16xi32>
      %and3A_235 = arith.andi %add3A_232, %and3A_234 : vector<16xi32>
      %add3A_236 = arith.constant 3 : i32
      %add3A_237 = vector.broadcast %add3A_236 : i32 to vector<16xi32>
      %add3A_238 = arith.addi %convert_element_type3A_19, %add3A_237 : vector<16xi32>
      %and3A_239 = arith.constant 127 : i32
      %and3A_240 = vector.broadcast %and3A_239 : i32 to vector<16xi32>
      %and3A_241 = arith.andi %add3A_238, %and3A_240 : vector<16xi32>
      %add3A_242 = arith.addi %mul3A_160, %and3A_211 : vector<16xi32>
      %gather3A = tpu.vector_load_idx %arg7[%add3A_242] : memref<16384xf32, #tpu.memory_space<vmem>>[vector<16xi32>], vector<16xf32>,
      %mul3A_243 = arith.mulf %exp3A_98, %gather3A : vector<16xf32>
      %gather3A_244 = tpu.vector_load_idx %arg8[%add3A_242] : memref<16384xf32, #tpu.memory_space<vmem>>[vector<16xi32>], vector<16xf32>,
      %mul3A_245 = arith.mulf %exp3A_98, %gather3A_244 : vector<16xf32>
      %add3A_246 = arith.addi %mul3A_160, %and3A_217 : vector<16xi32>
      %gather3A_247 = tpu.vector_load_idx %arg7[%add3A_246] : memref<16384xf32, #tpu.memory_space<vmem>>[vector<16xi32>], vector<16xf32>,
      %mul3A_248 = arith.mulf %exp3A_109, %gather3A_247 : vector<16xf32>
      %add3A_249 = arith.addf %mul3A_243, %mul3A_248 : vector<16xf32>
      %gather3A_250 = tpu.vector_load_idx %arg8[%add3A_246] : memref<16384xf32, #tpu.memory_space<vmem>>[vector<16xi32>], vector<16xf32>,
      %mul3A_251 = arith.mulf %exp3A_109, %gather3A_250 : vector<16xf32>
      %add3A_252 = arith.addf %mul3A_245, %mul3A_251 : vector<16xf32>
      %add3A_253 = arith.addi %mul3A_160, %and3A_223 : vector<16xi32>
      %gather3A_254 = tpu.vector_load_idx %arg7[%add3A_253] : memref<16384xf32, #tpu.memory_space<vmem>>[vector<16xi32>], vector<16xf32>,
      %mul3A_255 = arith.mulf %exp3A_120, %gather3A_254 : vector<16xf32>
      %add3A_256 = arith.addf %add3A_249, %mul3A_255 : vector<16xf32>
      %gather3A_257 = tpu.vector_load_idx %arg8[%add3A_253] : memref<16384xf32, #tpu.memory_space<vmem>>[vector<16xi32>], vector<16xf32>,
      %mul3A_258 = arith.mulf %exp3A_120, %gather3A_257 : vector<16xf32>
      %add3A_259 = arith.addf %add3A_252, %mul3A_258 : vector<16xf32>
      %add3A_260 = arith.addi %mul3A_160, %and3A_229 : vector<16xi32>
      %gather3A_261 = tpu.vector_load_idx %arg7[%add3A_260] : memref<16384xf32, #tpu.memory_space<vmem>>[vector<16xi32>], vector<16xf32>,
      %mul3A_262 = arith.mulf %exp3A_131, %gather3A_261 : vector<16xf32>
      %add3A_263 = arith.addf %add3A_256, %mul3A_262 : vector<16xf32>
      %gather3A_264 = tpu.vector_load_idx %arg8[%add3A_260] : memref<16384xf32, #tpu.memory_space<vmem>>[vector<16xi32>], vector<16xf32>,
      %mul3A_265 = arith.mulf %exp3A_131, %gather3A_264 : vector<16xf32>
      %add3A_266 = arith.addf %add3A_259, %mul3A_265 : vector<16xf32>
      %add3A_267 = arith.addi %mul3A_160, %and3A_235 : vector<16xi32>
      %gather3A_268 = tpu.vector_load_idx %arg7[%add3A_267] : memref<16384xf32, #tpu.memory_space<vmem>>[vector<16xi32>], vector<16xf32>,
      %mul3A_269 = arith.mulf %exp3A_142, %gather3A_268 : vector<16xf32>
      %add3A_270 = arith.addf %add3A_263, %mul3A_269 : vector<16xf32>
      %gather3A_271 = tpu.vector_load_idx %arg8[%add3A_267] : memref<16384xf32, #tpu.memory_space<vmem>>[vector<16xi32>], vector<16xf32>,
      %mul3A_272 = arith.mulf %exp3A_142, %gather3A_271 : vector<16xf32>
      %add3A_273 = arith.addf %add3A_266, %mul3A_272 : vector<16xf32>
      %add3A_274 = arith.addi %mul3A_160, %and3A_241 : vector<16xi32>
      %gather3A_275 = tpu.vector_load_idx %arg7[%add3A_274] : memref<16384xf32, #tpu.memory_space<vmem>>[vector<16xi32>], vector<16xf32>,
      %mul3A_276 = arith.mulf %exp3A_153, %gather3A_275 : vector<16xf32>
      %add3A_277 = arith.addf %add3A_270, %mul3A_276 : vector<16xf32>
      %gather3A_278 = tpu.vector_load_idx %arg8[%add3A_274] : memref<16384xf32, #tpu.memory_space<vmem>>[vector<16xi32>], vector<16xf32>,
      %mul3A_279 = arith.mulf %exp3A_153, %gather3A_278 : vector<16xf32>
      %add3A_280 = arith.addf %add3A_273, %mul3A_279 : vector<16xf32>
      %mul3A_281 = arith.mulf %exp3A, %add3A_277 : vector<16xf32>
      %mul3A_282 = arith.mulf %exp3A, %add3A_280 : vector<16xf32>
      %add3A_283 = arith.addi %mul3A_169, %and3A_211 : vector<16xi32>
      %gather3A_284 = tpu.vector_load_idx %arg7[%add3A_283] : memref<16384xf32, #tpu.memory_space<vmem>>[vector<16xi32>], vector<16xf32>,
      %mul3A_285 = arith.mulf %exp3A_98, %gather3A_284 : vector<16xf32>
      %gather3A_286 = tpu.vector_load_idx %arg8[%add3A_283] : memref<16384xf32, #tpu.memory_space<vmem>>[vector<16xi32>], vector<16xf32>,
      %mul3A_287 = arith.mulf %exp3A_98, %gather3A_286 : vector<16xf32>
      %add3A_288 = arith.addi %mul3A_169, %and3A_217 : vector<16xi32>
      %gather3A_289 = tpu.vector_load_idx %arg7[%add3A_288] : memref<16384xf32, #tpu.memory_space<vmem>>[vector<16xi32>], vector<16xf32>,
      %mul3A_290 = arith.mulf %exp3A_109, %gather3A_289 : vector<16xf32>
      %add3A_291 = arith.addf %mul3A_285, %mul3A_290 : vector<16xf32>
      %gather3A_292 = tpu.vector_load_idx %arg8[%add3A_288] : memref<16384xf32, #tpu.memory_space<vmem>>[vector<16xi32>], vector<16xf32>,
      %mul3A_293 = arith.mulf %exp3A_109, %gather3A_292 : vector<16xf32>
      %add3A_294 = arith.addf %mul3A_287, %mul3A_293 : vector<16xf32>
      %add3A_295 = arith.addi %mul3A_169, %and3A_223 : vector<16xi32>
      %gather3A_296 = tpu.vector_load_idx %arg7[%add3A_295] : memref<16384xf32, #tpu.memory_space<vmem>>[vector<16xi32>], vector<16xf32>,
      %mul3A_297 = arith.mulf %exp3A_120, %gather3A_296 : vector<16xf32>
      %add3A_298 = arith.addf %add3A_291, %mul3A_297 : vector<16xf32>
      %gather3A_299 = tpu.vector_load_idx %arg8[%add3A_295] : memref<16384xf32, #tpu.memory_space<vmem>>[vector<16xi32>], vector<16xf32>,
      %mul3A_300 = arith.mulf %exp3A_120, %gather3A_299 : vector<16xf32>
      %add3A_301 = arith.addf %add3A_294, %mul3A_300 : vector<16xf32>
      %add3A_302 = arith.addi %mul3A_169, %and3A_229 : vector<16xi32>
      %gather3A_303 = tpu.vector_load_idx %arg7[%add3A_302] : memref<16384xf32, #tpu.memory_space<vmem>>[vector<16xi32>], vector<16xf32>,
      %mul3A_304 = arith.mulf %exp3A_131, %gather3A_303 : vector<16xf32>
      %add3A_305 = arith.addf %add3A_298, %mul3A_304 : vector<16xf32>
      %gather3A_306 = tpu.vector_load_idx %arg8[%add3A_302] : memref<16384xf32, #tpu.memory_space<vmem>>[vector<16xi32>], vector<16xf32>,
      %mul3A_307 = arith.mulf %exp3A_131, %gather3A_306 : vector<16xf32>
      %add3A_308 = arith.addf %add3A_301, %mul3A_307 : vector<16xf32>
      %add3A_309 = arith.addi %mul3A_169, %and3A_235 : vector<16xi32>
      %gather3A_310 = tpu.vector_load_idx %arg7[%add3A_309] : memref<16384xf32, #tpu.memory_space<vmem>>[vector<16xi32>], vector<16xf32>,
      %mul3A_311 = arith.mulf %exp3A_142, %gather3A_310 : vector<16xf32>
      %add3A_312 = arith.addf %add3A_305, %mul3A_311 : vector<16xf32>
      %gather3A_313 = tpu.vector_load_idx %arg8[%add3A_309] : memref<16384xf32, #tpu.memory_space<vmem>>[vector<16xi32>], vector<16xf32>,
      %mul3A_314 = arith.mulf %exp3A_142, %gather3A_313 : vector<16xf32>
      %add3A_315 = arith.addf %add3A_308, %mul3A_314 : vector<16xf32>
      %add3A_316 = arith.addi %mul3A_169, %and3A_241 : vector<16xi32>
      %gather3A_317 = tpu.vector_load_idx %arg7[%add3A_316] : memref<16384xf32, #tpu.memory_space<vmem>>[vector<16xi32>], vector<16xf32>,
      %mul3A_318 = arith.mulf %exp3A_153, %gather3A_317 : vector<16xf32>
      %add3A_319 = arith.addf %add3A_312, %mul3A_318 : vector<16xf32>
      %gather3A_320 = tpu.vector_load_idx %arg8[%add3A_316] : memref<16384xf32, #tpu.memory_space<vmem>>[vector<16xi32>], vector<16xf32>,
      %mul3A_321 = arith.mulf %exp3A_153, %gather3A_320 : vector<16xf32>
      %add3A_322 = arith.addf %add3A_315, %mul3A_321 : vector<16xf32>
      %mul3A_323 = arith.mulf %exp3A_43, %add3A_319 : vector<16xf32>
      %mul3A_324 = arith.mulf %exp3A_43, %add3A_322 : vector<16xf32>
      %add3A_325 = arith.addi %mul3A_178, %and3A_211 : vector<16xi32>
      %gather3A_326 = tpu.vector_load_idx %arg7[%add3A_325] : memref<16384xf32, #tpu.memory_space<vmem>>[vector<16xi32>], vector<16xf32>,
      %mul3A_327 = arith.mulf %exp3A_98, %gather3A_326 : vector<16xf32>
      %gather3A_328 = tpu.vector_load_idx %arg8[%add3A_325] : memref<16384xf32, #tpu.memory_space<vmem>>[vector<16xi32>], vector<16xf32>,
      %mul3A_329 = arith.mulf %exp3A_98, %gather3A_328 : vector<16xf32>
      %add3A_330 = arith.addi %mul3A_178, %and3A_217 : vector<16xi32>
      %gather3A_331 = tpu.vector_load_idx %arg7[%add3A_330] : memref<16384xf32, #tpu.memory_space<vmem>>[vector<16xi32>], vector<16xf32>,
      %mul3A_332 = arith.mulf %exp3A_109, %gather3A_331 : vector<16xf32>
      %add3A_333 = arith.addf %mul3A_327, %mul3A_332 : vector<16xf32>
      %gather3A_334 = tpu.vector_load_idx %arg8[%add3A_330] : memref<16384xf32, #tpu.memory_space<vmem>>[vector<16xi32>], vector<16xf32>,
      %mul3A_335 = arith.mulf %exp3A_109, %gather3A_334 : vector<16xf32>
      %add3A_336 = arith.addf %mul3A_329, %mul3A_335 : vector<16xf32>
      %add3A_337 = arith.addi %mul3A_178, %and3A_223 : vector<16xi32>
      %gather3A_338 = tpu.vector_load_idx %arg7[%add3A_337] : memref<16384xf32, #tpu.memory_space<vmem>>[vector<16xi32>], vector<16xf32>,
      %mul3A_339 = arith.mulf %exp3A_120, %gather3A_338 : vector<16xf32>
      %add3A_340 = arith.addf %add3A_333, %mul3A_339 : vector<16xf32>
      %gather3A_341 = tpu.vector_load_idx %arg8[%add3A_337] : memref<16384xf32, #tpu.memory_space<vmem>>[vector<16xi32>], vector<16xf32>,
      %mul3A_342 = arith.mulf %exp3A_120, %gather3A_341 : vector<16xf32>
      %add3A_343 = arith.addf %add3A_336, %mul3A_342 : vector<16xf32>
      %add3A_344 = arith.addi %mul3A_178, %and3A_229 : vector<16xi32>
      %gather3A_345 = tpu.vector_load_idx %arg7[%add3A_344] : memref<16384xf32, #tpu.memory_space<vmem>>[vector<16xi32>], vector<16xf32>,
      %mul3A_346 = arith.mulf %exp3A_131, %gather3A_345 : vector<16xf32>
      %add3A_347 = arith.addf %add3A_340, %mul3A_346 : vector<16xf32>
      %gather3A_348 = tpu.vector_load_idx %arg8[%add3A_344] : memref<16384xf32, #tpu.memory_space<vmem>>[vector<16xi32>], vector<16xf32>,
      %mul3A_349 = arith.mulf %exp3A_131, %gather3A_348 : vector<16xf32>
      %add3A_350 = arith.addf %add3A_343, %mul3A_349 : vector<16xf32>
      %add3A_351 = arith.addi %mul3A_178, %and3A_235 : vector<16xi32>
      %gather3A_352 = tpu.vector_load_idx %arg7[%add3A_351] : memref<16384xf32, #tpu.memory_space<vmem>>[vector<16xi32>], vector<16xf32>,
      %mul3A_353 = arith.mulf %exp3A_142, %gather3A_352 : vector<16xf32>
      %add3A_354 = arith.addf %add3A_347, %mul3A_353 : vector<16xf32>
      %gather3A_355 = tpu.vector_load_idx %arg8[%add3A_351] : memref<16384xf32, #tpu.memory_space<vmem>>[vector<16xi32>], vector<16xf32>,
      %mul3A_356 = arith.mulf %exp3A_142, %gather3A_355 : vector<16xf32>
      %add3A_357 = arith.addf %add3A_350, %mul3A_356 : vector<16xf32>
      %add3A_358 = arith.addi %mul3A_178, %and3A_241 : vector<16xi32>
      %gather3A_359 = tpu.vector_load_idx %arg7[%add3A_358] : memref<16384xf32, #tpu.memory_space<vmem>>[vector<16xi32>], vector<16xf32>,
      %mul3A_360 = arith.mulf %exp3A_153, %gather3A_359 : vector<16xf32>
      %add3A_361 = arith.addf %add3A_354, %mul3A_360 : vector<16xf32>
      %gather3A_362 = tpu.vector_load_idx %arg8[%add3A_358] : memref<16384xf32, #tpu.memory_space<vmem>>[vector<16xi32>], vector<16xf32>,
      %mul3A_363 = arith.mulf %exp3A_153, %gather3A_362 : vector<16xf32>
      %add3A_364 = arith.addf %add3A_357, %mul3A_363 : vector<16xf32>
      %mul3A_365 = arith.mulf %exp3A_54, %add3A_361 : vector<16xf32>
      %mul3A_366 = arith.mulf %exp3A_54, %add3A_364 : vector<16xf32>
      %add3A_367 = arith.addi %mul3A_187, %and3A_211 : vector<16xi32>
      %gather3A_368 = tpu.vector_load_idx %arg7[%add3A_367] : memref<16384xf32, #tpu.memory_space<vmem>>[vector<16xi32>], vector<16xf32>,
      %mul3A_369 = arith.mulf %exp3A_98, %gather3A_368 : vector<16xf32>
      %gather3A_370 = tpu.vector_load_idx %arg8[%add3A_367] : memref<16384xf32, #tpu.memory_space<vmem>>[vector<16xi32>], vector<16xf32>,
      %mul3A_371 = arith.mulf %exp3A_98, %gather3A_370 : vector<16xf32>
      %add3A_372 = arith.addi %mul3A_187, %and3A_217 : vector<16xi32>
      %gather3A_373 = tpu.vector_load_idx %arg7[%add3A_372] : memref<16384xf32, #tpu.memory_space<vmem>>[vector<16xi32>], vector<16xf32>,
      %mul3A_374 = arith.mulf %exp3A_109, %gather3A_373 : vector<16xf32>
      %add3A_375 = arith.addf %mul3A_369, %mul3A_374 : vector<16xf32>
      %gather3A_376 = tpu.vector_load_idx %arg8[%add3A_372] : memref<16384xf32, #tpu.memory_space<vmem>>[vector<16xi32>], vector<16xf32>,
      %mul3A_377 = arith.mulf %exp3A_109, %gather3A_376 : vector<16xf32>
      %add3A_378 = arith.addf %mul3A_371, %mul3A_377 : vector<16xf32>
      %add3A_379 = arith.addi %mul3A_187, %and3A_223 : vector<16xi32>
      %gather3A_380 = tpu.vector_load_idx %arg7[%add3A_379] : memref<16384xf32, #tpu.memory_space<vmem>>[vector<16xi32>], vector<16xf32>,
      %mul3A_381 = arith.mulf %exp3A_120, %gather3A_380 : vector<16xf32>
      %add3A_382 = arith.addf %add3A_375, %mul3A_381 : vector<16xf32>
      %gather3A_383 = tpu.vector_load_idx %arg8[%add3A_379] : memref<16384xf32, #tpu.memory_space<vmem>>[vector<16xi32>], vector<16xf32>,
      %mul3A_384 = arith.mulf %exp3A_120, %gather3A_383 : vector<16xf32>
      %add3A_385 = arith.addf %add3A_378, %mul3A_384 : vector<16xf32>
      %add3A_386 = arith.addi %mul3A_187, %and3A_229 : vector<16xi32>
      %gather3A_387 = tpu.vector_load_idx %arg7[%add3A_386] : memref<16384xf32, #tpu.memory_space<vmem>>[vector<16xi32>], vector<16xf32>,
      %mul3A_388 = arith.mulf %exp3A_131, %gather3A_387 : vector<16xf32>
      %add3A_389 = arith.addf %add3A_382, %mul3A_388 : vector<16xf32>
      %gather3A_390 = tpu.vector_load_idx %arg8[%add3A_386] : memref<16384xf32, #tpu.memory_space<vmem>>[vector<16xi32>], vector<16xf32>,
      %mul3A_391 = arith.mulf %exp3A_131, %gather3A_390 : vector<16xf32>
      %add3A_392 = arith.addf %add3A_385, %mul3A_391 : vector<16xf32>
      %add3A_393 = arith.addi %mul3A_187, %and3A_235 : vector<16xi32>
      %gather3A_394 = tpu.vector_load_idx %arg7[%add3A_393] : memref<16384xf32, #tpu.memory_space<vmem>>[vector<16xi32>], vector<16xf32>,
      %mul3A_395 = arith.mulf %exp3A_142, %gather3A_394 : vector<16xf32>
      %add3A_396 = arith.addf %add3A_389, %mul3A_395 : vector<16xf32>
      %gather3A_397 = tpu.vector_load_idx %arg8[%add3A_393] : memref<16384xf32, #tpu.memory_space<vmem>>[vector<16xi32>], vector<16xf32>,
      %mul3A_398 = arith.mulf %exp3A_142, %gather3A_397 : vector<16xf32>
      %add3A_399 = arith.addf %add3A_392, %mul3A_398 : vector<16xf32>
      %add3A_400 = arith.addi %mul3A_187, %and3A_241 : vector<16xi32>
      %gather3A_401 = tpu.vector_load_idx %arg7[%add3A_400] : memref<16384xf32, #tpu.memory_space<vmem>>[vector<16xi32>], vector<16xf32>,
      %mul3A_402 = arith.mulf %exp3A_153, %gather3A_401 : vector<16xf32>
      %add3A_403 = arith.addf %add3A_396, %mul3A_402 : vector<16xf32>
      %gather3A_404 = tpu.vector_load_idx %arg8[%add3A_400] : memref<16384xf32, #tpu.memory_space<vmem>>[vector<16xi32>], vector<16xf32>,
      %mul3A_405 = arith.mulf %exp3A_153, %gather3A_404 : vector<16xf32>
      %add3A_406 = arith.addf %add3A_399, %mul3A_405 : vector<16xf32>
      %mul3A_407 = arith.mulf %exp3A_65, %add3A_403 : vector<16xf32>
      %mul3A_408 = arith.mulf %exp3A_65, %add3A_406 : vector<16xf32>
      %add3A_409 = arith.addi %mul3A_196, %and3A_211 : vector<16xi32>
      %gather3A_410 = tpu.vector_load_idx %arg7[%add3A_409] : memref<16384xf32, #tpu.memory_space<vmem>>[vector<16xi32>], vector<16xf32>,
      %mul3A_411 = arith.mulf %exp3A_98, %gather3A_410 : vector<16xf32>
      %gather3A_412 = tpu.vector_load_idx %arg8[%add3A_409] : memref<16384xf32, #tpu.memory_space<vmem>>[vector<16xi32>], vector<16xf32>,
      %mul3A_413 = arith.mulf %exp3A_98, %gather3A_412 : vector<16xf32>
      %add3A_414 = arith.addi %mul3A_196, %and3A_217 : vector<16xi32>
      %gather3A_415 = tpu.vector_load_idx %arg7[%add3A_414] : memref<16384xf32, #tpu.memory_space<vmem>>[vector<16xi32>], vector<16xf32>,
      %mul3A_416 = arith.mulf %exp3A_109, %gather3A_415 : vector<16xf32>
      %add3A_417 = arith.addf %mul3A_411, %mul3A_416 : vector<16xf32>
      %gather3A_418 = tpu.vector_load_idx %arg8[%add3A_414] : memref<16384xf32, #tpu.memory_space<vmem>>[vector<16xi32>], vector<16xf32>,
      %mul3A_419 = arith.mulf %exp3A_109, %gather3A_418 : vector<16xf32>
      %add3A_420 = arith.addf %mul3A_413, %mul3A_419 : vector<16xf32>
      %add3A_421 = arith.addi %mul3A_196, %and3A_223 : vector<16xi32>
      %gather3A_422 = tpu.vector_load_idx %arg7[%add3A_421] : memref<16384xf32, #tpu.memory_space<vmem>>[vector<16xi32>], vector<16xf32>,
      %mul3A_423 = arith.mulf %exp3A_120, %gather3A_422 : vector<16xf32>
      %add3A_424 = arith.addf %add3A_417, %mul3A_423 : vector<16xf32>
      %gather3A_425 = tpu.vector_load_idx %arg8[%add3A_421] : memref<16384xf32, #tpu.memory_space<vmem>>[vector<16xi32>], vector<16xf32>,
      %mul3A_426 = arith.mulf %exp3A_120, %gather3A_425 : vector<16xf32>
      %add3A_427 = arith.addf %add3A_420, %mul3A_426 : vector<16xf32>
      %add3A_428 = arith.addi %mul3A_196, %and3A_229 : vector<16xi32>
      %gather3A_429 = tpu.vector_load_idx %arg7[%add3A_428] : memref<16384xf32, #tpu.memory_space<vmem>>[vector<16xi32>], vector<16xf32>,
      %mul3A_430 = arith.mulf %exp3A_131, %gather3A_429 : vector<16xf32>
      %add3A_431 = arith.addf %add3A_424, %mul3A_430 : vector<16xf32>
      %gather3A_432 = tpu.vector_load_idx %arg8[%add3A_428] : memref<16384xf32, #tpu.memory_space<vmem>>[vector<16xi32>], vector<16xf32>,
      %mul3A_433 = arith.mulf %exp3A_131, %gather3A_432 : vector<16xf32>
      %add3A_434 = arith.addf %add3A_427, %mul3A_433 : vector<16xf32>
      %add3A_435 = arith.addi %mul3A_196, %and3A_235 : vector<16xi32>
      %gather3A_436 = tpu.vector_load_idx %arg7[%add3A_435] : memref<16384xf32, #tpu.memory_space<vmem>>[vector<16xi32>], vector<16xf32>,
      %mul3A_437 = arith.mulf %exp3A_142, %gather3A_436 : vector<16xf32>
      %add3A_438 = arith.addf %add3A_431, %mul3A_437 : vector<16xf32>
      %gather3A_439 = tpu.vector_load_idx %arg8[%add3A_435] : memref<16384xf32, #tpu.memory_space<vmem>>[vector<16xi32>], vector<16xf32>,
      %mul3A_440 = arith.mulf %exp3A_142, %gather3A_439 : vector<16xf32>
      %add3A_441 = arith.addf %add3A_434, %mul3A_440 : vector<16xf32>
      %add3A_442 = arith.addi %mul3A_196, %and3A_241 : vector<16xi32>
      %gather3A_443 = tpu.vector_load_idx %arg7[%add3A_442] : memref<16384xf32, #tpu.memory_space<vmem>>[vector<16xi32>], vector<16xf32>,
      %mul3A_444 = arith.mulf %exp3A_153, %gather3A_443 : vector<16xf32>
      %add3A_445 = arith.addf %add3A_438, %mul3A_444 : vector<16xf32>
      %gather3A_446 = tpu.vector_load_idx %arg8[%add3A_442] : memref<16384xf32, #tpu.memory_space<vmem>>[vector<16xi32>], vector<16xf32>,
      %mul3A_447 = arith.mulf %exp3A_153, %gather3A_446 : vector<16xf32>
      %add3A_448 = arith.addf %add3A_441, %mul3A_447 : vector<16xf32>
      %mul3A_449 = arith.mulf %exp3A_76, %add3A_445 : vector<16xf32>
      %mul3A_450 = arith.mulf %exp3A_76, %add3A_448 : vector<16xf32>
      %add3A_451 = arith.addi %mul3A_205, %and3A_211 : vector<16xi32>
      %gather3A_452 = tpu.vector_load_idx %arg7[%add3A_451] : memref<16384xf32, #tpu.memory_space<vmem>>[vector<16xi32>], vector<16xf32>,
      %mul3A_453 = arith.mulf %exp3A_98, %gather3A_452 : vector<16xf32>
      %gather3A_454 = tpu.vector_load_idx %arg8[%add3A_451] : memref<16384xf32, #tpu.memory_space<vmem>>[vector<16xi32>], vector<16xf32>,
      %mul3A_455 = arith.mulf %exp3A_98, %gather3A_454 : vector<16xf32>
      %add3A_456 = arith.addi %mul3A_205, %and3A_217 : vector<16xi32>
      %gather3A_457 = tpu.vector_load_idx %arg7[%add3A_456] : memref<16384xf32, #tpu.memory_space<vmem>>[vector<16xi32>], vector<16xf32>,
      %mul3A_458 = arith.mulf %exp3A_109, %gather3A_457 : vector<16xf32>
      %add3A_459 = arith.addf %mul3A_453, %mul3A_458 : vector<16xf32>
      %gather3A_460 = tpu.vector_load_idx %arg8[%add3A_456] : memref<16384xf32, #tpu.memory_space<vmem>>[vector<16xi32>], vector<16xf32>,
      %mul3A_461 = arith.mulf %exp3A_109, %gather3A_460 : vector<16xf32>
      %add3A_462 = arith.addf %mul3A_455, %mul3A_461 : vector<16xf32>
      %add3A_463 = arith.addi %mul3A_205, %and3A_223 : vector<16xi32>
      %gather3A_464 = tpu.vector_load_idx %arg7[%add3A_463] : memref<16384xf32, #tpu.memory_space<vmem>>[vector<16xi32>], vector<16xf32>,
      %mul3A_465 = arith.mulf %exp3A_120, %gather3A_464 : vector<16xf32>
      %add3A_466 = arith.addf %add3A_459, %mul3A_465 : vector<16xf32>
      %gather3A_467 = tpu.vector_load_idx %arg8[%add3A_463] : memref<16384xf32, #tpu.memory_space<vmem>>[vector<16xi32>], vector<16xf32>,
      %mul3A_468 = arith.mulf %exp3A_120, %gather3A_467 : vector<16xf32>
      %add3A_469 = arith.addf %add3A_462, %mul3A_468 : vector<16xf32>
      %add3A_470 = arith.addi %mul3A_205, %and3A_229 : vector<16xi32>
      %gather3A_471 = tpu.vector_load_idx %arg7[%add3A_470] : memref<16384xf32, #tpu.memory_space<vmem>>[vector<16xi32>], vector<16xf32>,
      %mul3A_472 = arith.mulf %exp3A_131, %gather3A_471 : vector<16xf32>
      %add3A_473 = arith.addf %add3A_466, %mul3A_472 : vector<16xf32>
      %gather3A_474 = tpu.vector_load_idx %arg8[%add3A_470] : memref<16384xf32, #tpu.memory_space<vmem>>[vector<16xi32>], vector<16xf32>,
      %mul3A_475 = arith.mulf %exp3A_131, %gather3A_474 : vector<16xf32>
      %add3A_476 = arith.addf %add3A_469, %mul3A_475 : vector<16xf32>
      %add3A_477 = arith.addi %mul3A_205, %and3A_235 : vector<16xi32>
      %gather3A_478 = tpu.vector_load_idx %arg7[%add3A_477] : memref<16384xf32, #tpu.memory_space<vmem>>[vector<16xi32>], vector<16xf32>,
      %mul3A_479 = arith.mulf %exp3A_142, %gather3A_478 : vector<16xf32>
      %add3A_480 = arith.addf %add3A_473, %mul3A_479 : vector<16xf32>
      %gather3A_481 = tpu.vector_load_idx %arg8[%add3A_477] : memref<16384xf32, #tpu.memory_space<vmem>>[vector<16xi32>], vector<16xf32>,
      %mul3A_482 = arith.mulf %exp3A_142, %gather3A_481 : vector<16xf32>
      %add3A_483 = arith.addf %add3A_476, %mul3A_482 : vector<16xf32>
      %add3A_484 = arith.addi %mul3A_205, %and3A_241 : vector<16xi32>
      %gather3A_485 = tpu.vector_load_idx %arg7[%add3A_484] : memref<16384xf32, #tpu.memory_space<vmem>>[vector<16xi32>], vector<16xf32>,
      %mul3A_486 = arith.mulf %exp3A_153, %gather3A_485 : vector<16xf32>
      %add3A_487 = arith.addf %add3A_480, %mul3A_486 : vector<16xf32>
      %gather3A_488 = tpu.vector_load_idx %arg8[%add3A_484] : memref<16384xf32, #tpu.memory_space<vmem>>[vector<16xi32>], vector<16xf32>,
      %mul3A_489 = arith.mulf %exp3A_153, %gather3A_488 : vector<16xf32>
      %add3A_490 = arith.addf %add3A_483, %mul3A_489 : vector<16xf32>
      %mul3A_491 = arith.mulf %exp3A_87, %add3A_487 : vector<16xf32>
      %mul3A_492 = arith.mulf %exp3A_87, %add3A_490 : vector<16xf32>
      %add3A_493 = arith.addf %mul3A_281, %mul3A_323 : vector<16xf32>
      %add3A_494 = arith.addf %mul3A_365, %mul3A_407 : vector<16xf32>
      %add3A_495 = arith.addf %add3A_493, %add3A_494 : vector<16xf32>
      %add3A_496 = arith.addf %mul3A_449, %mul3A_491 : vector<16xf32>
      %add3A_497 = arith.addf %add3A_495, %add3A_496 : vector<16xf32>
      %add3A_498 = arith.addf %mul3A_282, %mul3A_324 : vector<16xf32>
      %add3A_499 = arith.addf %mul3A_366, %mul3A_408 : vector<16xf32>
      %add3A_500 = arith.addf %add3A_498, %add3A_499 : vector<16xf32>
      %add3A_501 = arith.addf %mul3A_450, %mul3A_492 : vector<16xf32>
      %add3A_502 = arith.addf %add3A_500, %add3A_501 : vector<16xf32>
      %swap3A = arith.index_cast %mul3A_9 : i32 to index
      %swap3A_503 = tpu.vector_load %arg11[%swap3A] {strides = array<i32>} : memref<1024xf32, #tpu.memory_space<vmem>>, vector<16xf32>,
      tpu.vector_store %arg11[%swap3A], %add3A_497 {strides = array<i32>} : memref<1024xf32, #tpu.memory_space<vmem>>, vector<16xf32>,
      %swap3A_504 = arith.index_cast %mul3A_9 : i32 to index
      %swap3A_505 = tpu.vector_load %arg12[%swap3A_504] {strides = array<i32>} : memref<1024xf32, #tpu.memory_space<vmem>>, vector<16xf32>,
      tpu.vector_store %arg12[%swap3A_504], %add3A_502 {strides = array<i32>} : memref<1024xf32, #tpu.memory_space<vmem>>, vector<16xf32>,
    }
    %scan3A_6 = arith.constant 64 : i32
    "tpu.region"() ({
      %run_scoped3A_7 = tpu.sem_alloc : memref<!tpu.dma_semaphore, #tpu.memory_space<semaphore_mem>>
      %dma_start3A = tpu.memref_slice %arg5[%arg0, %mul3A_0] : memref<2x16384xf32, #tpu.memory_space<hbm>> -> memref<1x1024xf32, #tpu.memory_space<hbm>>
      %dma_start3A_8 = tpu.memref_squeeze %dma_start3A : memref<1x1024xf32, #tpu.memory_space<hbm>> -> memref<1024xf32, #tpu.memory_space<hbm>>
      %dma_start3A_9 = tpu.memref_slice %arg5[%arg0, %mul3A_0] : memref<2x16384xf32, #tpu.memory_space<hbm>> -> memref<1x1024xf32, #tpu.memory_space<hbm>>
      %dma_start3A_10 = tpu.memref_squeeze %dma_start3A_9 : memref<1x1024xf32, #tpu.memory_space<hbm>> -> memref<1024xf32, #tpu.memory_space<hbm>>
      tpu.enqueue_dma source(%arg11 : memref<1024xf32, #tpu.memory_space<vmem>>) target(%dma_start3A_10 : memref<1024xf32, #tpu.memory_space<hbm>>) target_semaphore(%run_scoped3A_7 : memref<!tpu.dma_semaphore, #tpu.memory_space<semaphore_mem>>)
      %dma_wait3A = tpu.memref_slice %arg5[%arg0, %mul3A_0] : memref<2x16384xf32, #tpu.memory_space<hbm>> -> memref<1x1024xf32, #tpu.memory_space<hbm>>
      %dma_wait3A_11 = tpu.memref_squeeze %dma_wait3A : memref<1x1024xf32, #tpu.memory_space<hbm>> -> memref<1024xf32, #tpu.memory_space<hbm>>
      %dma_wait3A_12 = tpu.memref_slice %arg5[%arg0, %mul3A_0] : memref<2x16384xf32, #tpu.memory_space<hbm>> -> memref<1x1024xf32, #tpu.memory_space<hbm>>
      %dma_wait3A_13 = tpu.memref_squeeze %dma_wait3A_12 : memref<1x1024xf32, #tpu.memory_space<hbm>> -> memref<1024xf32, #tpu.memory_space<hbm>>
      tpu.wait_dma2 semaphore(%run_scoped3A_7 : memref<!tpu.dma_semaphore, #tpu.memory_space<semaphore_mem>>) src(%arg11 : memref<1024xf32, #tpu.memory_space<vmem>>) dst(%dma_wait3A_13 : memref<1024xf32, #tpu.memory_space<hbm>>)
      tpu.yield
    }) : () -> ()
    "tpu.region"() ({
      %run_scoped3A_7 = tpu.sem_alloc : memref<!tpu.dma_semaphore, #tpu.memory_space<semaphore_mem>>
      %dma_start3A = tpu.memref_slice %arg6[%arg0, %mul3A_0] : memref<2x16384xf32, #tpu.memory_space<hbm>> -> memref<1x1024xf32, #tpu.memory_space<hbm>>
      %dma_start3A_8 = tpu.memref_squeeze %dma_start3A : memref<1x1024xf32, #tpu.memory_space<hbm>> -> memref<1024xf32, #tpu.memory_space<hbm>>
      %dma_start3A_9 = tpu.memref_slice %arg6[%arg0, %mul3A_0] : memref<2x16384xf32, #tpu.memory_space<hbm>> -> memref<1x1024xf32, #tpu.memory_space<hbm>>
      %dma_start3A_10 = tpu.memref_squeeze %dma_start3A_9 : memref<1x1024xf32, #tpu.memory_space<hbm>> -> memref<1024xf32, #tpu.memory_space<hbm>>
      tpu.enqueue_dma source(%arg12 : memref<1024xf32, #tpu.memory_space<vmem>>) target(%dma_start3A_10 : memref<1024xf32, #tpu.memory_space<hbm>>) target_semaphore(%run_scoped3A_7 : memref<!tpu.dma_semaphore, #tpu.memory_space<semaphore_mem>>)
      %dma_wait3A = tpu.memref_slice %arg6[%arg0, %mul3A_0] : memref<2x16384xf32, #tpu.memory_space<hbm>> -> memref<1x1024xf32, #tpu.memory_space<hbm>>
      %dma_wait3A_11 = tpu.memref_squeeze %dma_wait3A : memref<1x1024xf32, #tpu.memory_space<hbm>> -> memref<1024xf32, #tpu.memory_space<hbm>>
      %dma_wait3A_12 = tpu.memref_slice %arg6[%arg0, %mul3A_0] : memref<2x16384xf32, #tpu.memory_space<hbm>> -> memref<1x1024xf32, #tpu.memory_space<hbm>>
      %dma_wait3A_13 = tpu.memref_squeeze %dma_wait3A_12 : memref<1x1024xf32, #tpu.memory_space<hbm>> -> memref<1024xf32, #tpu.memory_space<hbm>>
      tpu.wait_dma2 semaphore(%run_scoped3A_7 : memref<!tpu.dma_semaphore, #tpu.memory_space<semaphore_mem>>) src(%arg12 : memref<1024xf32, #tpu.memory_space<vmem>>) dst(%dma_wait3A_13 : memref<1024xf32, #tpu.memory_space<hbm>>)
      tpu.yield
    }) : () -> ()
    return
  }
}

module attributes {stable_mosaic.version = 14 : i64} {
  func.func @_tc_grid_body(%arg0: memref<2x64x64xf32, #tpu.memory_space<vmem>>, %arg1: memref<2x64x64xf32, #tpu.memory_space<vmem>>, %arg2: memref<64x64xf32, #tpu.memory_space<vmem>>, %arg3: memref<128x128xf32, #tpu.memory_space<vmem>>, %arg4: memref<256x128xf32, #tpu.memory_space<vmem>>, %arg5: memref<2x256x128xf32, #tpu.memory_space<vmem>>) attributes {dimension_semantics = [], scalar_prefetch = 0 : i64, scratch_operands = 0 : i64, tpu.core_type = #tpu.core_type<tc>} {
    %get3A = arith.constant 0 : index
    %get3A_0 = arith.constant 0 : index
    %get3A_1 = vector.load %arg2[%get3A, %get3A_0] : memref<64x64xf32, #tpu.memory_space<vmem>>, vector<64x64xf32>
    %get3A_2 = arith.constant 0 : index
    %get3A_3 = arith.constant 0 : index
    %get3A_4 = arith.constant 0 : index
    %get3A_5 = vector.load %arg0[%get3A_2, %get3A_3, %get3A_4] : memref<2x64x64xf32, #tpu.memory_space<vmem>>, vector<1x64x64xf32>
    %get3A_6 = vector.shape_cast %get3A_5 : vector<1x64x64xf32> to vector<64x64xf32>
    %mul3A = arith.mulf %get3A_6, %get3A_1 : vector<64x64xf32>
    %get3A_7 = arith.constant 0 : index
    %get3A_8 = arith.constant 0 : index
    %get3A_9 = arith.constant 0 : index
    %get3A_10 = vector.load %arg1[%get3A_7, %get3A_8, %get3A_9] : memref<2x64x64xf32, #tpu.memory_space<vmem>>, vector<1x64x64xf32>
    %get3A_11 = vector.shape_cast %get3A_10 : vector<1x64x64xf32> to vector<64x64xf32>
    %mul3A_12 = arith.mulf %get3A_11, %get3A_1 : vector<64x64xf32>
    %neg3A = arith.constant 0.000000e+00 : f32
    %neg3A_13 = vector.broadcast %neg3A : f32 to vector<64x64xf32>
    %neg3A_14 = arith.subf %neg3A_13, %mul3A_12 : vector<64x64xf32>
    %concatenate3A = tpu.concatenate %mul3A, %neg3A_14 in 1 : vector<64x64xf32>, vector<64x64xf32> -> vector<64x128xf32>
    %concatenate3A_15 = tpu.concatenate %mul3A_12, %mul3A in 1 : vector<64x64xf32>, vector<64x64xf32> -> vector<64x128xf32>
    %concatenate3A_16 = tpu.concatenate %concatenate3A, %concatenate3A_15 in 0 : vector<64x128xf32>, vector<64x128xf32> -> vector<128x128xf32>
    %get3A_17 = arith.constant 0 : index
    %get3A_18 = arith.constant 0 : index
    %get3A_19 = vector.load %arg3[%get3A_17, %get3A_18] : memref<128x128xf32, #tpu.memory_space<vmem>>, vector<128x128xf32>
    %dot_general3A = arith.constant dense<0.000000e+00> : vector<128x128xf32>
    %dot_general3A_20 = tpu.matmul %concatenate3A_16, %get3A_19, %dot_general3A {dimension_numbers = #tpu.dot_dimension_numbers<[1], [0], [0], [1], [0, 0, 1, 1], [], []>, precision = #tpu.contract_precision<fp32>, transpose_lhs_hint = false} : vector<128x128xf32>, vector<128x128xf32>, vector<128x128xf32> -> vector<128x128xf32>
    %get3A_21 = arith.constant 0 : index
    %get3A_22 = arith.constant 0 : index
    %get3A_23 = vector.load %arg4[%get3A_21, %get3A_22] : memref<256x128xf32, #tpu.memory_space<vmem>>, vector<256x128xf32>
    %dot_general3A_24 = arith.constant dense<0.000000e+00> : vector<256x128xf32>
    %dot_general3A_25 = tpu.matmul %get3A_23, %dot_general3A_20, %dot_general3A_24 {dimension_numbers = #tpu.dot_dimension_numbers<[1], [0], [0], [1], [0, 0, 1, 1], [], []>, precision = #tpu.contract_precision<fp32>, transpose_lhs_hint = false} : vector<256x128xf32>, vector<128x128xf32>, vector<256x128xf32> -> vector<256x128xf32>
    %swap3A = arith.constant 0 : index
    %swap3A_26 = arith.constant 0 : index
    %swap3A_27 = arith.constant 0 : index
    %swap3A_28 = vector.load %arg5[%swap3A, %swap3A_26, %swap3A_27] : memref<2x256x128xf32, #tpu.memory_space<vmem>>, vector<1x256x128xf32>
    %swap3A_29 = vector.shape_cast %swap3A_28 : vector<1x256x128xf32> to vector<256x128xf32>
    %swap3A_30 = vector.shape_cast %dot_general3A_25 : vector<256x128xf32> to vector<1x256x128xf32>
    tpu.vector_store %arg5[%swap3A, %swap3A_26, %swap3A_27], %swap3A_30 {strides = array<i32>} : memref<2x256x128xf32, #tpu.memory_space<vmem>>, vector<1x256x128xf32>,
    %get3A_31 = arith.constant 1 : index
    %get3A_32 = arith.constant 0 : index
    %get3A_33 = arith.constant 0 : index
    %get3A_34 = vector.load %arg0[%get3A_31, %get3A_32, %get3A_33] : memref<2x64x64xf32, #tpu.memory_space<vmem>>, vector<1x64x64xf32>
    %get3A_35 = vector.shape_cast %get3A_34 : vector<1x64x64xf32> to vector<64x64xf32>
    %mul3A_36 = arith.mulf %get3A_35, %get3A_1 : vector<64x64xf32>
    %get3A_37 = arith.constant 1 : index
    %get3A_38 = arith.constant 0 : index
    %get3A_39 = arith.constant 0 : index
    %get3A_40 = vector.load %arg1[%get3A_37, %get3A_38, %get3A_39] : memref<2x64x64xf32, #tpu.memory_space<vmem>>, vector<1x64x64xf32>
    %get3A_41 = vector.shape_cast %get3A_40 : vector<1x64x64xf32> to vector<64x64xf32>
    %mul3A_42 = arith.mulf %get3A_41, %get3A_1 : vector<64x64xf32>
    %neg3A_43 = arith.constant 0.000000e+00 : f32
    %neg3A_44 = vector.broadcast %neg3A_43 : f32 to vector<64x64xf32>
    %neg3A_45 = arith.subf %neg3A_44, %mul3A_42 : vector<64x64xf32>
    %concatenate3A_46 = tpu.concatenate %mul3A_36, %neg3A_45 in 1 : vector<64x64xf32>, vector<64x64xf32> -> vector<64x128xf32>
    %concatenate3A_47 = tpu.concatenate %mul3A_42, %mul3A_36 in 1 : vector<64x64xf32>, vector<64x64xf32> -> vector<64x128xf32>
    %concatenate3A_48 = tpu.concatenate %concatenate3A_46, %concatenate3A_47 in 0 : vector<64x128xf32>, vector<64x128xf32> -> vector<128x128xf32>
    %get3A_49 = arith.constant 0 : index
    %get3A_50 = arith.constant 0 : index
    %get3A_51 = vector.load %arg3[%get3A_49, %get3A_50] : memref<128x128xf32, #tpu.memory_space<vmem>>, vector<128x128xf32>
    %dot_general3A_52 = arith.constant dense<0.000000e+00> : vector<128x128xf32>
    %dot_general3A_53 = tpu.matmul %concatenate3A_48, %get3A_51, %dot_general3A_52 {dimension_numbers = #tpu.dot_dimension_numbers<[1], [0], [0], [1], [0, 0, 1, 1], [], []>, precision = #tpu.contract_precision<fp32>, transpose_lhs_hint = false} : vector<128x128xf32>, vector<128x128xf32>, vector<128x128xf32> -> vector<128x128xf32>
    %get3A_54 = arith.constant 0 : index
    %get3A_55 = arith.constant 0 : index
    %get3A_56 = vector.load %arg4[%get3A_54, %get3A_55] : memref<256x128xf32, #tpu.memory_space<vmem>>, vector<256x128xf32>
    %dot_general3A_57 = arith.constant dense<0.000000e+00> : vector<256x128xf32>
    %dot_general3A_58 = tpu.matmul %get3A_56, %dot_general3A_53, %dot_general3A_57 {dimension_numbers = #tpu.dot_dimension_numbers<[1], [0], [0], [1], [0, 0, 1, 1], [], []>, precision = #tpu.contract_precision<fp32>, transpose_lhs_hint = false} : vector<256x128xf32>, vector<128x128xf32>, vector<256x128xf32> -> vector<256x128xf32>
    %swap3A_59 = arith.constant 1 : index
    %swap3A_60 = arith.constant 0 : index
    %swap3A_61 = arith.constant 0 : index
    %swap3A_62 = vector.load %arg5[%swap3A_59, %swap3A_60, %swap3A_61] : memref<2x256x128xf32, #tpu.memory_space<vmem>>, vector<1x256x128xf32>
    %swap3A_63 = vector.shape_cast %swap3A_62 : vector<1x256x128xf32> to vector<256x128xf32>
    %swap3A_64 = vector.shape_cast %dot_general3A_58 : vector<256x128xf32> to vector<1x256x128xf32>
    tpu.vector_store %arg5[%swap3A_59, %swap3A_60, %swap3A_61], %swap3A_64 {strides = array<i32>} : memref<2x256x128xf32, #tpu.memory_space<vmem>>, vector<1x256x128xf32>,
    return
  }
}

</mosaic_0001>

<sc_bundles>
// kernel: _nufft.4.cloned.1.call-start
scs
__scs_entry_jumppad:
0x0: {  	(pc) =	sbr.rel $0x88, $3  }
0x1: {  	(tag) =	ssettag $0x0;
	lr =	simm.s32 $0x1  }
0x2: {  	[smem:$0x3F9E] =	sst lr;
	_ =	strace $0xD0000000  }
0x3: {  	_ = 	snop  }
0x4: {  	_ = 	snop  }
0x5: {  	_ = 	snop  }
0x6: {  	_ = 	snop  }
0x7: {  	_ = 	snop  }
__scs_overlays_trampoline_lowered:
0x8: {  	[smem:$0x3FAD] =	sst s0  }
0x9: {  	[smem:$0x3FAE] =	sst s1  }
0xa: {  	[smem:$0x3FAF] =	sst s2  }
0xb: {  	[smem:$0x3FB0] =	sst s3  }
0xc: {  	[smem:$0x3FB1] =	sst s4  }
0xd: {  	[smem:$0x3FB2] =	sst s5  }
0xe: {  	[smem:$0x3FB3] =	sst s6  }
0xf: {  	[smem:$0x3FB4] =	sst s7  }
0x10: {  	[smem:$0x3FB5] =	sst s8  }
0x11: {  	[smem:$0x3FB6] =	sst s9;
	s0 =	simm.s32 @!p0 $0x0  }
0x12: {  	s1 =	sld [smem:$0x3F9C];
	s0 =	simm.s32 @p0 $0x1  }
0x13: {  	[smem:$0x3FB7] =	sst s0;
	s0 =	simm.s32 @!p1 $0x0  }
0x14: {  	s2 =	sld [smem:$0x3F9B];
	s0 =	simm.s32 @p1 $0x1  }
0x15: {  	[smem:$0x3FB8] =	sst s0;
	s0 =	simm.s32 @!p2 $0x0  }
0x16: {  	s3 =	sld [smem:$0x3FDB];
	s0 =	simm.s32 @p2 $0x1  }
0x17: {  	s4 =	simm.s32 $0x1BF5;
	[smem:$0x3FBA] =	sst s0  }
0x18: {  	s0 =	sld [smem:$0x3F9D];
	_ =	swait.ge [sflag:s4], $0x0  }
0x19: {  	s7 =	sld [smem:$0x3F9E]  }
0x1a: {  	s8 =	sadd.s32 $0xFFFFE003, lr  }
0x1b: {  	s9 =	sadd.s32 $0xFFFFFEF7, lr;
	s5 =	simm.s32 $0xFFFFFFFF;
	p2 =	slt.u32 s8, $0xFFFFF086  }
0x1c: {  	p1 =	slt.u32 s9, $0xF7A;
	s5 =	simm.s32 @!p2 $0x0  }
0x1d: {  	s5 =	simm.s32 @p1 $0x1;
	p0 =	seq.s32 s7, s2  }
0x1e: {  	s7 =	smul.u32 @!p0 $0xF7A, s2;
	p2 =	seq.s32 @!p0 s5, $0x0  }
0x1f: {  	s9 =	smul.u32 $0xF7A, s1;
	s8 =	simm.s32 @!p0 $0x1BF5;
	p2 =	por !p2, p0  }
0x20: {  	[sflag:s8] =	ssyncset.s32 @!p0 $0xFFFFF086;
	s6 =	sadd.s32 @!p0 s3, s7;
	s7 =	simm.s32 @!p0 $0x108  }
0x21: {  	s3 =	sadd.s32 s3, s9;
	s6 =	sadd.s32 @!p0 $0x88, s6;
	s7 =	simm.s32 @p2 $0x1082  }
0x22: {  	[simem:s7], [sflag:s8] =	dma.local @!p0 [hbm:s6], $0xF7A  }
0x23: {  	s9 =	sor.u32 $0xD0000000, s2;
	s6 =	simm.s32 $0x108;
	_ =	swait.ge @!p0 [sflag:s8], $0x0  }
0x24: {  	s3 =	sadd.s32 $0x88, s3;
	s6 =	simm.s32 @!p1 $0x1082;
	[sflag:s4] =	ssyncset.s32 $0xFFFFF086  }
0x25: {  	[simem:s6], [sflag:s4] =	dma.local [hbm:s3], $0xF7A  }
0x26: {  	[smem:$0x3F9E] =	sst s1;
	(tag) =	ssettag s2;
	_ =	strace s9  }
0x27: {  	s1 =	sld [smem:$0x3FAE]  }
0x28: {  	s2 =	sld [smem:$0x3FAF]  }
0x29: {  	s4 =	sld [smem:$0x3FB1]  }
0x2a: {  	p0 =	seq.s32 s5, $0x0;
	s5 =	sld [smem:$0x3FB2]  }
0x2b: {  	s6 =	sld [smem:$0x3FB3]  }
0x2c: {  	s7 =	sld [smem:$0x3FB4]  }
0x2d: {  	s3 =	simm.s32 $0x108;
	s8 =	sld [smem:$0x3FB5]  }
0x2e: {  	s3 =	simm.s32 @!p0 $0x1082;
	s9 =	sld [smem:$0x3FB6]  }
0x2f: {  	lr =	sadd.s32 s0, s3;
	s0 =	sld [smem:$0x3FAD]  }
0x30: {  	s3 =	sld [smem:$0x3FB0]  }
0x31: {  	[smem:$0x3FB9] =	sst s10  }
0x32: {  	s10 =	sld [smem:$0x3FB7];
	_ =	sdelay $0x3  }
0x33: {  	p0 =	seq.s32 s10, $0x1;
	s10 =	sld [smem:$0x3FB9];
	_ =	sdelay $0x3  }
0x34: {  	[smem:$0x3FB9] =	sst s10  }
0x35: {  	s10 =	sld [smem:$0x3FB8];
	_ =	sdelay $0x3  }
0x36: {  	p1 =	seq.s32 s10, $0x1;
	s10 =	sld [smem:$0x3FB9];
	_ =	sdelay $0x3  }
0x37: {  	[smem:$0x3FB9] =	sst s10  }
0x38: {  	s10 =	sld [smem:$0x3FBA]  }
0x39: {  	_ = 	snop;
	(pc) =	sbr.ind lr, $3  }
0x3a: {  	_ = 	snop  }
0x3b: {  	_ = 	snop  }
0x3c: {  	p2 =	seq.s32 s10, $0x1;
	s10 =	sld [smem:$0x3FB9]  }
0x3d: {  	_ =	shalt  }
0x3e: {  	_ =	shalt  }
0x3f: {  	_ =	shalt  }
0x40: {  	_ =	shalt  }
0x41: {  	_ =	shalt  }
0x42: {  	_ =	shalt  }
0x43: {  	_ =	shalt  }
0x44: {  	_ =	shalt  }
0x45: {  	_ =	shalt  }
0x46: {  	_ =	shalt  }
0x47: {  	_ =	shalt  }
0x48: {  	_ =	shalt  }
0x49: {  	_ =	shalt  }
0x4a: {  	_ =	shalt  }
0x4b: {  	_ =	shalt  }
0x4c: {  	_ =	shalt  }
0x4d: {  	_ =	shalt  }
0x4e: {  	_ =	shalt  }
0x4f: {  	_ =	shalt  }
0x50: {  	_ =	shalt  }
0x51: {  	_ =	shalt  }
0x52: {  	_ =	shalt  }
0x53: {  	_ =	shalt  }
0x54: {  	_ =	shalt  }
0x55: {  	_ =	shalt  }
0x56: {  	_ =	shalt  }
0x57: {  	_ =	shalt  }
0x58: {  	_ =	shalt  }
0x59: {  	_ =	shalt  }
0x5a: {  	_ =	shalt  }
0x5b: {  	_ =	shalt  }
0x5c: {  	_ =	shalt  }
0x5d: {  	_ =	shalt  }
0x5e: {  	_ =	shalt  }
0x5f: {  	_ =	shalt  }
0x60: {  	_ =	shalt  }
0x61: {  	_ =	shalt  }
0x62: {  	_ =	shalt  }
0x63: {  	_ =	shalt  }
0x64: {  	_ =	shalt  }
0x65: {  	_ =	shalt  }
0x66: {  	_ =	shalt  }
0x67: {  	_ =	shalt  }
0x68: {  	_ =	shalt  }
0x69: {  	_ =	shalt  }
0x6a: {  	_ =	shalt  }
0x6b: {  	_ =	shalt  }
0x6c: {  	_ =	shalt  }
0x6d: {  	_ =	shalt  }
0x6e: {  	_ =	shalt  }
0x6f: {  	_ =	shalt  }
0x70: {  	_ =	shalt  }
0x71: {  	_ =	shalt  }
0x72: {  	_ =	shalt  }
0x73: {  	_ =	shalt  }
0x74: {  	_ =	shalt  }
0x75: {  	_ =	shalt  }
0x76: {  	_ =	shalt  }
0x77: {  	_ =	shalt  }
0x78: {  	_ =	shalt  }
0x79: {  	_ =	shalt  }
0x7a: {  	_ =	shalt  }
0x7b: {  	_ =	shalt  }
0x7c: {  	_ =	shalt  }
0x7d: {  	_ =	shalt  }
0x7e: {  	_ =	shalt  }
0x7f: {  	_ =	shalt  }
0x80: {  	_ =	shalt  }
0x81: {  	_ =	shalt  }
0x82: {  	_ =	shalt  }
0x83: {  	_ =	shalt  }
0x84: {  	_ =	shalt  }
0x85: {  	_ =	shalt  }
0x86: {  	_ =	shalt  }
0x87: {  	_ =	shalt  }
.Lfunc_end0:
.L_simem_size_0:
called_computation_lowered:
.L_overlay_start_0:
0x88: {  	s2 =	sld [smem:$0x3FD9]  }
0x89: {  	s3 =	sld [smem:$0x3FFE];
	_ =	sdelay $0x1  }
0x8a: {  	s1 =	srdreg.scid  }
0x8b: {  	s0 =	sand.u32 $0x1, s1  }
0x8c: {  	s17 =	sshll.u32 s0, $0xA;
	s2 =	sadd.s32 s3, s2  }
0x8d: {  	s2 =	sadd.s32 s2, s17  }
0x8e: {  	[smem:$0x3FC5] =	sst s2  }
0x8f: {  	_ = 	snop  }
0x90: {  	s2 =	sld [smem:$0x3FD0];
	(tm) =	ssettm $0x1  }
0x91: {  	s18 =	sld [smem:$0x3FFB];
	_ =	sdelay $0x3  }
0x92: {  	_ =	strace s18  }
0x93: {  	s3 =	sld [smem:$0x3FFC];
	_ =	sdelay $0x3  }
0x94: {  	_ =	strace s3  }
0x95: {  	s3 =	sld [smem:$0x3FFD];
	_ =	sdelay $0x3  }
0x96: {  	_ =	strace s3  }
0x97: {  	_ =	strace $0x8FFFFFFF  }
0x98: {  	s19 =	sld [smem:$0x3FDB];
	_ =	sdelay $0x1  }
0x99: {  	s4 =	simm.s32 $_scs_section_size  }
0x9a: {  	s5 =	simm.s32 $_size__tile_overlayer_lowered;
	s6 =	simm.s32 $_tile_overlayer_lowered  }
0x9b: {  	s22 =	simm.s32 $0x1BFF;
	s21 =	sshll.u32 s6, $0x1;
	s3 =	sadd.s32 s4, s19  }
0x9c: {  	s7 =	simm.s32 $0x0;
	s20 =	sshll.u32 s5, $0x1;
	s5 =	sadd.s32 s21, s3  }
0x9d: {  	[timem:s7], [sflag:s22] =	dma.local [hbm:s5], s20  }
0x9e: {  	_ =	swait.ge [sflag:s22], s20  }
0x9f: {  	s4 =	ssub.s32 $0x0, s20;
	[sflag:s22] =	ssyncset.done $0x0  }
0xa0: {  	[sflag:s22] =	ssyncadd.s32 s4;
	_ =	sdelay $0x1  }
0xa1: {  	s23 =	simm.s32 $0x1B8B  }
0xa2: {  	_ =	swait.ge [sflag:s23], $0x1  }
0xa3: {  	[sflag:s23] =	ssyncset.done $0x0  }
0xa4: {  	s25 =	simm.s32 $0x1B8E;
	s24 =	sld [smem:$0x3FFE];
	[sflag:s23] =	ssyncadd.s32 $0xFFFFFFFF  }
0xa5: {  	s26 =	simm.s32 $execute0_lowered;
	[smem:$0x3FD2] =	sst s25  }
0xa6: {  	s5 =	sshll.u32 s26, $0x1;
	_ =	strace $0x80000046;
	[dreg:$0x1] =	wrdreg $0xFFFFFFFF  }
0xa7: {  	s28 =	simm.s32 $_size_execute0_lowered;
	s3 =	sadd.s32 s3, s5;
	[dreg:$0x0] =	wrdreg $0x0  }
0xa8: {  	s5 =	sshll.u32 s28, $0x1;
	[dreg:$0x2] =	wrdreg s3  }
0xa9: {  	[dreg:$0x3] =	wrdreg s5  }
0xaa: {  	[dreg:$0x4] =	wrdreg $0xC0  }
0xab: {  	_ =	task [dreg:s7], $0x5FFFF  }
0xac: {  	[dreg:$0x1] =	wrdreg $0xFFFFFFFF  }
0xad: {  	[dreg:$0x0] =	wrdreg $0x60  }
0xae: {  	[dreg:$0x2] =	wrdreg s2  }
0xaf: {  	[dreg:$0x3] =	wrdreg s24  }
0xb0: {  	[dreg:$0x4] =	wrdreg $0x9  }
0xb1: {  	_ =	task.clear_ibuf [dreg:s7], $0x5FFFF;
	_ =	strace $0x90000046  }
0xb2: {  	s29 =	simm.s32 $0x9;
	_ =	strace $0x80000048  }
0xb3: {  	_ =	swait.ge [sflag:s29], $0x1  }
0xb4: {  	[sflag:s29] =	ssyncadd.s32 $0xFFFFFFFF  }
0xb5: {  	_ =	strace $0x90000048  }
0xb6: {  	_ =	sfence  }
0xb7: {  	s30 =	sld [smem:$0x0];
	_ =	sdelay $0x2  }
0xb8: {  	s31 =	sshll.u32 s1, $0xD;
	s1 =	sshrl.u32 s1, $0x2  }
0xb9: {  	s3 =	sand.u32 $0x4000, s31;
	s1 =	sadd.s32 s1, s30  }
0xba: {  	s0 =	sor.u32 s3, s0;
	s1 =	sshll.u32 s1, $0x11  }
0xbb: {  	s0 =	sor.u32 s1, s0  }
0xbc: {  	s0 =	sadd.s32 $0x8F2B, s0  }
0xbd: {  	[sflag:s0] =	ssyncadd.remote.s32 $0x1  }
0xbe: {  	_ =	sfence.sel $0xFFFF  }
0xbf: {  	[dreg:$0x0] =	wrdreg $0xFFFFFFFF;
	(pc) =	sbr.abs _section_cstart, $3  }
0xc0: {  	[dreg:$0x1] =	wrdreg $0xFFFFFFFF  }
0xc1: {  	_ =	task.clear_ibuf [dreg:s7], $0x2FFFF;
	_ =	strace $0x9FFFFFFF  }
0xc2: {  	(tm) =	ssettm $0x7FFFFFFF  }
0xc3: {  	_ =	shalt  }
tec
execute0_lowered:
.L_overlay_start_1:
0x0: {  	(tag) =	ssettag $0x1  }
0x1: {  	s3 =	rddreg [dreg:$0x0]  }
0x2: {  	s4 =	rddreg [dreg:$0x1]  }
0x3: {  	s0 =	rddreg [dreg:$0x2];
	s2 =	simm.s32 $0x0;
	s1 =	stileid.u32  }
0x4: {  	s6 =	srdreg.scid;
	s11 =	simm.s32 $0x100;
	s12 =	simm.s32 $0x1  }
0x5: {  	s13 =	simm.s32 $0x4000;
	s14 =	simm.s32 $0x8000;
	s15 =	simm.s32 $0x8400  }
0x6: {  	s16 =	simm.s32 $0x8800;
	s17 =	simm.s32 $0x8C00;
	s18 =	simm.s32 $0x0  }
0x7: {  	[smem:$0x7FF] =	sst s2;
	s5 =	sshll.u32 s1, $0x7;
	s29 =	sand.u32 $0x1, s6  }
0x8: {  	s30 =	sshll.u32 s1, $0x8;
	_ =	strace $0x80000047;
	s7 =	sadd.s32 s5, s4  }
0x9: {  	s8 =	sshll.u32 s29, $0x4;
	s9 =	ssub.s32 $0x2, s29;
	s5 =	sshll.u32 s29, $0xC  }
0xa: {  	s6 =	sor.u32 s8, s30;
	s31 =	sshrl.u32 s9, $0x1;
	s3 =	sadd.s32 s3, s5  }
0xb: {  	s5 =	sadd.s32 $0x1C00, s7;
	s10 =	sadd.s32 s6, s4;
	s9 =	ssub.s32 s9, s31  }
0xc: {  	s4 =	sadd.s32 $0x10, s3;
	s6 =	sadd.s32 $0x1400, s7;
	s7 =	sadd.s32 $0x2400, s10  }
0xd: {  	s8 =	sadd.s32 $0x3400, s10;
	s9 =	smax.u32 s9, $0x1;
	s10 =	simm.s32 $0x80  }
.LBB2_1:
0xe: {  	[tilespmem:s2], [sflag:$0x1] =	stream.strided.gather [hbm4b:s3+s10], $0x4000, s11, s10, $0x38;
	[tilespmem:$0x9000] =	vst v63  }
0xf: {  	_ =	swait.ge [sflag:s12], $0x4000  }
0x10: {  	[sflag:s12] =	ssyncset.done $0x0  }
0x11: {  	[sflag:s12] =	ssyncadd.s32 $0xFFFFC000  }
0x12: {  	[tilespmem:s13], [sflag:$0x1] =	stream.strided.gather [hbm4b:s4+s10], $0x4000, s11, s10, $0x38;
	[tilespmem:$0x9000] =	vst v63  }
0x13: {  	_ =	swait.ge [sflag:s12], $0x4000  }
0x14: {  	[sflag:s12] =	ssyncset.done $0x0  }
0x15: {  	[sflag:s12] =	ssyncadd.s32 $0xFFFFC000  }
0x16: {  	[tilespmem:s14], [sflag:$0x1] =	stream.linear.gather [hbm4b:s5+s2], $0x400, $0x38;
	[tilespmem:$0x9000] =	vst v63  }
0x17: {  	_ =	swait.ge [sflag:s12], $0x400  }
0x18: {  	[sflag:s12] =	ssyncset.done $0x0  }
0x19: {  	[sflag:s12] =	ssyncadd.s32 $0xFFFFFC00  }
0x1a: {  	[tilespmem:s15], [sflag:$0x1] =	stream.linear.gather [hbm4b:s6+s2], $0x400, $0x38;
	[tilespmem:$0x9000] =	vst v63  }
0x1b: {  	_ =	swait.ge [sflag:s12], $0x400  }
0x1c: {  	[sflag:s12] =	ssyncset.done $0x0  }
0x1d: {  	s19 =	simm.s32 $0x0;
	[sflag:s12] =	ssyncadd.s32 $0xFFFFFC00  }
.LBB2_2:
0x1e: {  	s20 =	sshra.s32 s19, $0x2  }
0x1f: {  	v0 =	vld [tilespmem:s20+$0x8000]  }
0x20: {  	v2 =	vld [tilespmem:s20+$0x8400];
	_ =	sdelay $0x3  }
0x21: {  	v0 =	vmul.f32 $1.280000000e+02, v0  }
0x22: {  	v2 =	vmul.f32 $1.280000000e+02, v2  }
0x23: {  	v1 =	vtrunc.f32 v0  }
0x24: {  	v5 =	vtrunc.f32 v2;
	v1 =	vcvt.f32.s32 v1  }
0x25: {  	v5 =	vcvt.f32.s32 v5  }
0x26: {  	v3 =	vcvt.s32.f32 v1  }
0x27: {  	v10 =	vcvt.s32.f32 v5  }
0x28: {  	v0 =	vsub.f32 v0, v3  }
0x29: {  	v9 =	vshll.u32 v1, $0x7;
	v2 =	vsub.f32 v2, v10  }
0x2a: {  	v59 =	vadd.s32 $0x7E, v5;
	v3 =	vadd.f32 $2.000000000e+00, v0;
	v4 =	vadd.f32 $1.000000000e+00, v0  }
0x2b: {  	v6 =	vmul.f32 v0, v0;
	v7 =	vadd.f32 $-1.000000000e+00, v0;
	v56 =	vadd.f32 $-2.000000000e+00, v0  }
0x2c: {  	v12 =	vadd.s32 $0x1, v5;
	v0 =	vadd.f32 $-3.000000000e+00, v0;
	v10 =	vadd.f32 $2.000000000e+00, v2  }
0x2d: {  	v58 =	vadd.s32 $0x3F00, v9;
	v8 =	vand.u32 $0x7F, v59;
	v6 =	vmul.f32 $-7.404804820e-01, v6  }
0x2e: {  	v11 =	vand.u32 $0x3F80, v58;
	v0 =	vmul.f32 v0, v0;
	v10 =	vmul.f32 v10, v10  }
0x2f: {  	v3 =	vmul.f32 v3, v3;
	v54 =	vmul.f32 $1.442695020e+00, v6;
	v6 =	vor.u32 v8, v11  }
0x30: {  	v62 =	vmul.f32 $-7.404804820e-01, v0;
	v0 =	vand.u32 $0x7F, v12;
	v10 =	vmul.f32 $-7.404804820e-01, v10  }
0x31: {  	v49 =	vadd.s32 $0x3F80, v9;
	v44 =	vor.u32 v0, v11  }
0x32: {  	v3 =	vmul.f32 $-7.404804820e-01, v3;
	v48 =	vmul.f32 $1.442695020e+00, v10;
	v10 =	vand.u32 $0x3F80, v49  }
0x33: {  	v60 =	vadd.s32 $0xFFFFFFFF, v5;
	v4 =	vmul.f32 v4, v4;
	v53 =	vor.u32 v8, v10  }
0x34: {  	v55 =	vmul.f32 v7, v7;
	v7 =	vand.u32 $0x7F, v60;
	v3 =	vmul.f32 $1.442695020e+00, v3;
	v63 =	vld.idx.msk [tilespmem:v6+s2+$0x0], $0xffff  }
0x35: {  	v4 =	vmul.f32 $-7.404804820e-01, v4;
	v26 =	vor.u32 v7, v10;
	v15 =	vld.idx.msk [tilespmem:v6+s13+$0x0], $0xffff  }
0x36: {  	(erf) = vpow2.f32 v3;
	v3 =	vmul.f32 v56, v56;
	v21 =	vld.idx.msk [tilespmem:v44+s2+$0x0], $0xffff  }
0x37: {  	v14 =	vadd.s32 $0x2, v5;
	v4 =	vmul.f32 $1.442695020e+00, v4;
	v31 =	vor.u32 v0, v10;
	v22 =	vld.idx.msk [tilespmem:v44+s13+$0x0], $0xffff  }
0x38: {  	v17 =	vadd.f32 $1.000000000e+00, v2;
	v57 =	vmul.f32 $-7.404804820e-01, v55;
	v3 =	vmul.f32 $-7.404804820e-01, v3;
	v28 =	vld.idx.msk [tilespmem:v53+s2+$0x0], $0xffff  }
0x39: {  	v51 =	vmul.f32 v2, v2;
	(erf) = vpow2.f32 v4;
	v4 =	vor.u32 v7, v11;
	v30 =	vld.idx.msk [tilespmem:v53+s13+$0x0], $0xffff  }
0x3a: {  	v1 =	vmul.f32 $1.442695020e+00, v57;
	v61 =	vmul.f32 $1.442695020e+00, v3;
	v3 =	vand.u32 $0x7F, v5;
	v32 =	vld.idx.msk [tilespmem:v26+s2+$0x0], $0xffff  }
0x3b: {  	v46 =	vmul.f32 v17, v17;
	(erf) = vpow2.f32 v54;
	v26 =	vld.idx.msk [tilespmem:v26+s13+$0x0], $0xffff;
	v13 =	vor.u32 v3, v11  }
0x3c: {  	v52 =	vadd.f32 $-1.000000000e+00, v2;
	(erf) = vpow2.f32 v1;
	v1 =	vand.u32 $0x7F, v14;
	v38 =	vld.idx.msk [tilespmem:v31+s2+$0x0], $0xffff  }
0x3d: {  	v24 =	vadd.f32 $-2.000000000e+00, v2;
	v50 =	vmul.f32 $-7.404804820e-01, v46;
	v19 =	vor.u32 v1, v11;
	v31 =	vld.idx.msk [tilespmem:v31+s13+$0x0], $0xffff  }
0x3e: {  	v16 =	vmul.f32 $1.442695020e+00, v62;
	v5 =	vadd.s32 $0x3, v5;
	v33 =	vor.u32 v1, v10;
	v45 =	vld.idx.msk [tilespmem:v4+s2+$0x0], $0xffff  }
0x3f: {  	(erf) = vpow2.f32 v61;
	v18 =	vld.idx.msk [tilespmem:v4+s13+$0x0], $0xffff;
	v4 =	vand.u32 $0x7F, v5;
	v5 =	vmul.f32 v52, v52  }
0x40: {  	v2 =	vadd.f32 $-3.000000000e+00, v2;
	(erf) = vpow2.f32 v16;
	v16 =	vmul.f32 $-7.404804820e-01, v51;
	v47 =	vld.idx.msk [tilespmem:v13+s2+$0x0], $0xffff  }
0x41: {  	v57 =	vor.u32 v3, v10;
	(erf) = vpow2.f32 v48;
	v20 =	vld.idx.msk [tilespmem:v13+s13+$0x0], $0xffff;
	v13 =	vmul.f32 $1.442695020e+00, v50  }
0x42: {  	v60 =	vand.u32 $0x3F80, v9;
	v5 =	vmul.f32 $-7.404804820e-01, v5;
	v23 =	vld.idx.msk [tilespmem:v19+s2+$0x0], $0xffff;
	v54 =	vmul.f32 $1.442695020e+00, v16  }
0x43: {  	v55 =	vmul.f32 v24, v24;
	v43 =	vor.u32 v3, v60;
	v25 =	vld.idx.msk [tilespmem:v19+s13+$0x0], $0xffff;
	(erf) = vpow2.f32 v13  }
0x44: {  	v11 =	vor.u32 v4, v11;
	v40 =	vld.idx.msk [tilespmem:v33+s2+$0x0], $0xffff;
	v5 =	vmul.f32 $1.442695020e+00, v5;
	(erf) = vpow2.f32 v54  }
0x45: {  	v2 =	vmul.f32 v2, v2;
	v29 =	vpop (erf);
	v33 =	vld.idx.msk [tilespmem:v33+s13+$0x0], $0xffff  }
0x46: {  	v58 =	vmul.f32 $-7.404804820e-01, v55;
	v37 =	vor.u32 v4, v10;
	v19 =	vpop (erf);
	v35 =	vld.idx.msk [tilespmem:v57+s2+$0x0], $0xffff  }
0x47: {  	v34 =	vmul.f32 $-7.404804820e-01, v2;
	v36 =	vld.idx.msk [tilespmem:v57+s13+$0x0], $0xffff;
	v16 =	vpop (erf)  }
0x48: {  	v48 =	vor.u32 v60, v1;
	v46 =	vld.idx.msk [tilespmem:v43+s2+$0x0], $0xffff;
	v13 =	vmul.f32 $1.442695020e+00, v58;
	(erf) = vpow2.f32 v5;
	v5 =	vpop (erf)  }
0x49: {  	v39 =	vor.u32 v60, v8;
	v59 =	vmul.f32 $1.442695020e+00, v34;
	v27 =	vld.idx.msk [tilespmem:v11+s2+$0x0], $0xffff;
	v6 =	vpop (erf)  }
0x4a: {  	v56 =	vld.idx.msk [tilespmem:v11+s13+$0x0], $0xffff;
	(erf) = vpow2.f32 v13;
	v2 =	vpop (erf)  }
0x4b: {  	v42 =	vld.idx.msk [tilespmem:v37+s2+$0x0], $0xffff;
	(erf) = vpow2.f32 v59;
	v10 =	vpop (erf)  }
0x4c: {  	v34 =	vor.u32 v60, v4;
	v37 =	vld.idx.msk [tilespmem:v37+s13+$0x0], $0xffff;
	v12 =	vmul.f32 v10, v63;
	v15 =	vmul.f32 v10, v15;
	v13 =	vpop (erf)  }
0x4d: {  	v41 =	vor.u32 v60, v7;
	v28 =	vmul.f32 v28, v10;
	v51 =	vmul.f32 v30, v10;
	v30 =	vld.idx.msk [tilespmem:v48+s2+$0x0], $0xffff;
	v11 =	vpop (erf)  }
0x4e: {  	v44 =	vor.u32 v60, v0;
	v14 =	vmul.f32 v13, v45;
	v61 =	vmul.f32 v11, v20;
	v20 =	vld.idx.msk [tilespmem:v39+s2+$0x0], $0xffff  }
0x4f: {  	v18 =	vmul.f32 v13, v18;
	v45 =	vadd.s32 $0x80, v9;
	v26 =	vmul.f32 v26, v13;
	v39 =	vld.idx.msk [tilespmem:v39+s13+$0x0], $0xffff  }
0x50: {  	v17 =	vmul.f32 v11, v47;
	v52 =	vmul.f32 v35, v11;
	v35 =	vld.idx.msk [tilespmem:v48+s13+$0x0], $0xffff;
	v14 =	vadd.f32 v14, v12  }
0x51: {  	v32 =	vmul.f32 v32, v13;
	v45 =	vand.u32 $0x3F80, v45;
	v12 =	vpop (erf);
	v54 =	vadd.f32 v26, v51;
	v26 =	vld.idx.msk [tilespmem:v34+s2+$0x0], $0xffff  }
0x52: {  	v50 =	vor.u32 v8, v45;
	v34 =	vld.idx.msk [tilespmem:v34+s13+$0x0], $0xffff;
	v21 =	vmul.f32 v12, v21;
	v17 =	vadd.f32 v14, v17  }
0x53: {  	v15 =	vadd.f32 v18, v15;
	v53 =	vor.u32 v7, v45;
	v62 =	vmul.f32 v12, v22;
	v22 =	vld.idx.msk [tilespmem:v41+s2+$0x0], $0xffff  }
0x54: {  	v60 =	vor.u32 v0, v45;
	v17 =	vadd.f32 v17, v21;
	v21 =	vld.idx.msk [tilespmem:v43+s13+$0x0], $0xffff  }
0x55: {  	v55 =	vmul.f32 v36, v11;
	v28 =	vadd.f32 v32, v28;
	v15 =	vadd.f32 v15, v61;
	v14 =	vpop (erf);
	v43 =	vld.idx.msk [tilespmem:v44+s13+$0x0], $0xffff  }
0x56: {  	v57 =	vor.u32 v3, v45;
	v58 =	vmul.f32 v31, v12;
	v63 =	vmul.f32 v23, v14;
	v23 =	vld.idx.msk [tilespmem:v41+s13+$0x0], $0xffff  }
0x57: {  	v28 =	vadd.f32 v52, v28;
	v18 =	vadd.f32 v15, v62;
	v62 =	vadd.s32 $0x100, v9;
	v31 =	vld.idx.msk [tilespmem:v50+s2+$0x0], $0xffff  }
0x58: {  	v51 =	vmul.f32 v39, v10;
	v9 =	vadd.s32 $0x180, v9;
	v25 =	vmul.f32 v25, v14;
	v32 =	vld.idx.msk [tilespmem:v53+s13+$0x0], $0xffff  }
0x59: {  	v59 =	vmul.f32 v40, v14;
	v61 =	vmul.f32 v33, v14;
	v33 =	vand.u32 $0x3F80, v62;
	v39 =	vld.idx.msk [tilespmem:v60+s2+$0x0], $0xffff  }
0x5a: {  	v40 =	vld.idx.msk [tilespmem:v60+s13+$0x0], $0xffff;
	v9 =	vand.u32 $0x3F80, v9;
	v15 =	vpop (erf);
	v60 =	vor.u32 v0, v33;
	v17 =	vadd.f32 v17, v63  }
0x5b: {  	v36 =	vld.idx.msk [tilespmem:v57+s13+$0x0], $0xffff;
	v18 =	vadd.f32 v18, v25;
	v49 =	vmul.f32 v27, v15;
	v24 =	vmul.f32 v56, v15  }
0x5c: {  	v20 =	vmul.f32 v20, v10;
	v22 =	vmul.f32 v22, v13;
	v0 =	vor.u32 v0, v9;
	v27 =	vld.idx.msk [tilespmem:v44+s2+$0x0], $0xffff  }
0x5d: {  	v56 =	vmul.f32 v38, v12;
	v38 =	vld.idx.msk [tilespmem:v50+s13+$0x0], $0xffff;
	v17 =	vadd.f32 v17, v49;
	v18 =	vadd.f32 v18, v24  }
0x5e: {  	v52 =	vmul.f32 v46, v11;
	v63 =	vor.u32 v1, v45;
	v20 =	vadd.f32 v22, v20;
	v49 =	vld.idx.msk [tilespmem:v57+s2+$0x0], $0xffff  }
0x5f: {  	v50 =	vor.u32 v4, v45;
	v17 =	vmul.f32 v17, v29;
	v18 =	vmul.f32 v18, v29;
	v29 =	vld.idx.msk [tilespmem:v53+s2+$0x0], $0xffff  }
0x60: {  	v20 =	vadd.f32 v52, v20;
	v52 =	vld.idx.msk [tilespmem:v60+s2+$0x0], $0xffff  }
0x61: {  	v24 =	vadd.f32 v55, v54;
	v28 =	vadd.f32 v56, v28;
	v55 =	vor.u32 v7, v33;
	v44 =	vld.idx.msk [tilespmem:v0+s2+$0x0], $0xffff  }
0x62: {  	v48 =	vmul.f32 v42, v15;
	v37 =	vmul.f32 v37, v15;
	v0 =	vld.idx.msk [tilespmem:v0+s13+$0x0], $0xffff  }
0x63: {  	v26 =	vmul.f32 v26, v15;
	v28 =	vadd.f32 v59, v28;
	v54 =	vmul.f32 v27, v12;
	v27 =	vld.idx.msk [tilespmem:v63+s13+$0x0], $0xffff  }
0x64: {  	v57 =	vmul.f32 v30, v14;
	v24 =	vadd.f32 v58, v24;
	v53 =	vor.u32 v8, v33;
	v30 =	vld.idx.msk [tilespmem:v50+s13+$0x0], $0xffff  }
0x65: {  	v34 =	vmul.f32 v34, v15;
	v21 =	vmul.f32 v21, v11;
	v25 =	vadd.f32 v48, v28;
	v28 =	vld.idx.msk [tilespmem:v63+s2+$0x0], $0xffff  }
0x66: {  	v56 =	vmul.f32 v43, v12;
	v58 =	vor.u32 v3, v33;
	v24 =	vadd.f32 v61, v24;
	v62 =	vld.idx.msk [tilespmem:v55+s2+$0x0], $0xffff  }
0x67: {  	v7 =	vor.u32 v7, v9;
	v23 =	vmul.f32 v23, v13;
	v32 =	vmul.f32 v32, v13;
	v41 =	vld.idx.msk [tilespmem:v55+s13+$0x0], $0xffff  }
0x68: {  	v39 =	vmul.f32 v39, v12;
	v3 =	vor.u32 v3, v9;
	v24 =	vadd.f32 v37, v24;
	v37 =	vld.idx.msk [tilespmem:v50+s2+$0x0], $0xffff  }
0x69: {  	v59 =	vmul.f32 v35, v14;
	v8 =	vor.u32 v8, v9;
	v38 =	vmul.f32 v38, v10;
	v35 =	vld.idx.msk [tilespmem:v53+s2+$0x0], $0xffff  }
0x6a: {  	v23 =	vadd.f32 v23, v51;
	v51 =	vmul.f32 v36, v11;
	v61 =	vmul.f32 v31, v10;
	v22 =	vld.idx.msk [tilespmem:v53+s13+$0x0], $0xffff  }
0x6b: {  	v63 =	vor.u32 v1, v33;
	v33 =	vor.u32 v4, v33;
	v48 =	vmul.f32 v49, v11;
	v49 =	vld.idx.msk [tilespmem:v58+s2+$0x0], $0xffff  }
0x6c: {  	v1 =	vor.u32 v1, v9;
	v4 =	vor.u32 v4, v9;
	v21 =	vadd.f32 v21, v23;
	v50 =	vld.idx.msk [tilespmem:v58+s13+$0x0], $0xffff  }
0x6d: {  	v20 =	vadd.f32 v54, v20;
	v32 =	vadd.f32 v32, v38;
	v54 =	vmul.f32 v40, v12;
	v42 =	vld.idx.msk [tilespmem:v3+s2+$0x0], $0xffff  }
0x6e: {  	v25 =	vmul.f32 v25, v19;
	v21 =	vadd.f32 v56, v21;
	v29 =	vmul.f32 v29, v13;
	v3 =	vld.idx.msk [tilespmem:v3+s13+$0x0], $0xffff  }
0x6f: {  	v20 =	vadd.f32 v57, v20;
	v43 =	vmul.f32 v52, v12;
	v19 =	vmul.f32 v24, v19;
	v24 =	vld.idx.msk [tilespmem:v60+s13+$0x0], $0xffff  }
0x70: {  	v53 =	vadd.f32 v51, v32;
	v52 =	vmul.f32 v44, v12;
	v0 =	vmul.f32 v0, v12;
	v60 =	vld.idx.msk [tilespmem:v8+s2+$0x0], $0xffff  }
0x71: {  	v27 =	vmul.f32 v27, v14;
	v8 =	vld.idx.msk [tilespmem:v8+s13+$0x0], $0xffff;
	v30 =	vmul.f32 v30, v15;
	v21 =	vadd.f32 v59, v21  }
0x72: {  	v23 =	vadd.f32 v29, v61;
	v20 =	vadd.f32 v26, v20;
	v55 =	vld.idx.msk [tilespmem:v63+s2+$0x0], $0xffff;
	v28 =	vmul.f32 v28, v14  }
0x73: {  	v56 =	vld.idx.msk [tilespmem:v63+s13+$0x0], $0xffff;
	v26 =	vadd.f32 v54, v53;
	v31 =	vmul.f32 v62, v13;
	v62 =	vmul.f32 v41, v13  }
0x74: {  	v63 =	vld.idx.msk [tilespmem:v7+s2+$0x0], $0xffff;
	v23 =	vadd.f32 v48, v23;
	v20 =	vmul.f32 v20, v16;
	v59 =	vmul.f32 v37, v15  }
0x75: {  	v7 =	vld.idx.msk [tilespmem:v7+s13+$0x0], $0xffff;
	v21 =	vadd.f32 v34, v21;
	v61 =	vmul.f32 v35, v10;
	v22 =	vmul.f32 v22, v10  }
0x76: {  	v26 =	vadd.f32 v27, v26;
	v40 =	vmul.f32 v49, v11;
	v41 =	vmul.f32 v50, v11  }
0x77: {  	v57 =	vld.idx.msk [tilespmem:v33+s2+$0x0], $0xffff;
	v49 =	vmul.f32 v42, v11;
	v3 =	vmul.f32 v3, v11  }
0x78: {  	v58 =	vld.idx.msk [tilespmem:v33+s13+$0x0], $0xffff;
	v23 =	vadd.f32 v39, v23;
	v16 =	vmul.f32 v21, v16;
	v26 =	vadd.f32 v30, v26  }
0x79: {  	v46 =	vld.idx.msk [tilespmem:v1+s2+$0x0], $0xffff;
	v24 =	vmul.f32 v24, v12;
	v8 =	vmul.f32 v8, v10;
	v31 =	vadd.f32 v31, v61  }
0x7a: {  	v1 =	vld.idx.msk [tilespmem:v1+s13+$0x0], $0xffff;
	v22 =	vadd.f32 v62, v22;
	v45 =	vmul.f32 v63, v13;
	v7 =	vmul.f32 v7, v13  }
0x7b: {  	v51 =	vld.idx.msk [tilespmem:v4+s2+$0x0], $0xffff;
	v48 =	vmul.f32 v55, v14;
	v23 =	vadd.f32 v28, v23;
	v28 =	vmul.f32 v60, v10  }
0x7c: {  	v50 =	vmul.f32 v56, v14;
	v31 =	vadd.f32 v40, v31;
	v7 =	vadd.f32 v7, v8  }
0x7d: {  	v4 =	vld.idx.msk [tilespmem:v4+s13+$0x0], $0xffff;
	v53 =	vmul.f32 v57, v15;
	v22 =	vadd.f32 v41, v22;
	v47 =	vadd.f32 v45, v28  }
0x7e: {  	v55 =	vmul.f32 v58, v15;
	v23 =	vadd.f32 v59, v23;
	v3 =	vadd.f32 v3, v7  }
0x7f: {  	v1 =	vmul.f32 v1, v14;
	v9 =	vadd.f32 v43, v31;
	v13 =	vadd.f32 v49, v47  }
0x80: {  	v58 =	vmul.f32 v51, v15;
	v22 =	vadd.f32 v24, v22;
	v0 =	vadd.f32 v0, v3  }
0x81: {  	v10 =	vmul.f32 v46, v14;
	v9 =	vadd.f32 v48, v9;
	v54 =	vadd.f32 v52, v13  }
0x82: {  	v59 =	vmul.f32 v4, v15;
	v8 =	vadd.f32 v50, v22;
	v0 =	vadd.f32 v1, v0  }
0x83: {  	v60 =	vmul.f32 v23, v5;
	v56 =	vadd.f32 v53, v9;
	v57 =	vadd.f32 v10, v54  }
0x84: {  	v5 =	vmul.f32 v26, v5;
	v8 =	vadd.f32 v55, v8;
	v0 =	vadd.f32 v59, v0  }
0x85: {  	v63 =	vadd.f32 v19, v18;
	v3 =	vmul.f32 v56, v6;
	v7 =	vadd.f32 v58, v57  }
0x86: {  	v5 =	vadd.f32 v5, v16;
	v6 =	vmul.f32 v8, v6;
	v0 =	vmul.f32 v0, v2  }
0x87: {  	v62 =	vadd.f32 v25, v17;
	v4 =	vadd.f32 v60, v20;
	v61 =	vmul.f32 v7, v2  }
0x88: {  	p0 =	sne.s32 s19, $0xFC0;
	v2 =	vadd.f32 v5, v63;
	v0 =	vadd.f32 v0, v6  }
.Ltmp0:
0x89: {  	v4 =	vadd.f32 v4, v62;
	v1 =	vadd.f32 v61, v3;
	(pc) =	sbr.rel @p0 .LBB2_2-.Ltmp0, $4  }
0x8a: {  	v0 =	vadd.f32 v0, v2  }
0x8b: {  	v1 =	vadd.f32 v1, v4  }
0x8c: {  	[tilespmem:s20+$0x8C00] =	vst v0  }
0x8d: {  	s19 =	sadd.s32 $0x40, s19;
	[tilespmem:s20+$0x8800] =	vst v1  }
0x8e: {  	[hbm4b:s7+s10] =	stream.strided.scatter [tilespmem:s16], [sflag:$0x1], $0x400, s11, s10, $0x38;
	[tilespmem:$0x9000] =	vst v63  }
0x8f: {  	s18 =	sadd.s32 $0x1, s18;
	_ =	swait.ge [sflag:s12], $0x400  }
0x90: {  	p0 =	sne.s32 s18, s9;
	[sflag:s12] =	ssyncset.done $0x0  }
.Ltmp1:
0x91: {  	[sflag:s12] =	ssyncadd.s32 $0xFFFFFC00;
	(pc) =	sbr.rel @p0 .LBB2_1-.Ltmp1, $4  }
0x92: {  	[hbm4b:s8+s10] =	stream.strided.scatter [tilespmem:s17], [sflag:$0x1], $0x400, s11, s10, $0x38;
	[tilespmem:$0x9000] =	vst v63  }
0x93: {  	_ =	swait.ge [sflag:s12], $0x400  }
0x94: {  	[sflag:s12] =	ssyncset.done $0x0  }
0x95: {  	[sflag:s12] =	ssyncadd.s32 $0xFFFFFC00  }
0x96: {  	_ =	sfence.sel $0x180000  }
0x97: {  	[bflag:$0x0] =	sbarrier.arrive $0xFFFF  }
0x98: {  	p0 =	sne.s32 s1, $0x0;
	_ =	strace $0x90000047  }
0x99: {  	s0 =	sadd.s32 @!p0 $0x100000, s0;
	[bflag:$0x2] =	sbarrier.arrive $0xFFFF  }
0x9a: {  	[sflag:s0] =	ssyncadd.tile.s32 @!p0 $0x1;
	_ =	shalt  }
.Lfunc_end2:
_tile_overlayer_lowered:
.L_overlay_start_2:
0x9b: {  	(tag) =	ssettag $0x2  }
0x9c: {  	s0 =	rddreg [dreg:$0x0];
	s2 =	stileid.u32  }
0x9d: {  	s1 =	rddreg [dreg:$0x1];
	p0 =	sne.s32 s2, $0x0  }
0x9e: {  	s3 =	rddreg [dreg:$0x2];
	[bflag:$0x3] =	sbarrier.arrive $0xFFFF;
	s2 =	simm.s32 @!p0 $0x1C01  }
0x9f: {  	[timem:s3], [sflag:s2] =	dma.local @!p0 [hbm:s0], s1  }
0xa0: {  	s0 =	simm.s32 @!p0 $0x1  }
0xa1: {  	_ =	swait.ge @!p0 [sflag:s0], s1  }
0xa2: {  	s1 =	ssub.s32 @!p0 $0x0, s1;
	[sflag:s0] =	ssyncset.done @!p0 $0x0  }
0xa3: {  	[sflag:s0] =	ssyncadd.s32 @!p0 s1  }
0xa4: {  	[bflag:$0x3] =	sbarrier.arrive $0xFFFF  }
0xa5: {  	_ =	shalt  }

</sc_bundles>
